<compile_context>
chip_gen: v7x
topology: tpu7x:2x2x1
jax: 0.10.2.dev20260603
libtpu: 0.0.44.dev20260713+nightly
codegen_flags: <defaults>
</compile_context>

<pallas_src>
import functools

import jax
import jax.numpy as jnp
from jax import lax
from jax.experimental import pallas as pl
from jax.experimental.pallas import tpu as pltpu
from jax.experimental.pallas import tpu_sc as plsc

NC = 2
NS = 16
NW = NC * NS
CHUNK = 128

_mesh = plsc.VectorSubcoreMesh(
    core_axis_name="c", subcore_axis_name="s", num_cores=NC, num_subcores=NS
)


def _deg_call(col2d, ones_src, zeros_np16, n_pad, cpw):
    rps = n_pad // NS

    @functools.partial(
        pl.kernel,
        out_type=jax.ShapeDtypeStruct((NC, n_pad, 16), jnp.float32),
        mesh=_mesh,
        compiler_params=pltpu.CompilerParams(use_tc_tiling_on_sc=False),
        scratch_types=[
            pltpu.VMEM((cpw, CHUNK), jnp.int32),
            pltpu.VMEM((CHUNK, 16), jnp.float32),
            pltpu.VMEM_SHARED((n_pad, 16), jnp.float32),
        ],
    )
    def deg_kernel(col_hbm, ones_hbm, zero_hbm, out_hbm, colv, onesb, acc):
        cid = lax.axis_index("c")
        sid = lax.axis_index("s")
        wid = cid * NS + sid
        pltpu.sync_copy(ones_hbm, onesb)
        pltpu.sync_copy(
            zero_hbm.at[pl.ds(sid * rps, rps)], acc.at[pl.ds(sid * rps, rps)]
        )
        pltpu.sync_copy(col_hbm.at[pl.ds(wid * cpw, cpw)], colv)
        plsc.subcore_barrier()

        @pl.loop(0, cpw)
        def _(j):
            pltpu.sync_copy(onesb, acc.at[colv.at[j]], add=True)

        plsc.subcore_barrier()
        pltpu.sync_copy(
            acc.at[pl.ds(sid * rps, rps)],
            out_hbm.at[cid, pl.ds(sid * rps, rps)],
        )

    return deg_kernel(col2d, ones_src, zeros_np16)


def _agg_call(y, row2d, col2d, zeros_npd, n_pad, nch, d):
    rps = n_pad // NS
    ph = nch // 64
    dt = y.dtype

    @functools.partial(
        pl.kernel,
        out_type=jax.ShapeDtypeStruct((NC, n_pad, d), dt),
        mesh=_mesh,
        compiler_params=pltpu.CompilerParams(use_tc_tiling_on_sc=False),
        scratch_types=[
            pltpu.VMEM((ph, CHUNK), jnp.int32),
            pltpu.VMEM((ph, CHUNK), jnp.int32),
            pltpu.VMEM((CHUNK, d), dt),
            pltpu.VMEM((CHUNK, d), dt),
            pltpu.VMEM_SHARED((n_pad, d), dt),
            pltpu.SemaphoreType.DMA,
            pltpu.SemaphoreType.DMA,
            pltpu.SemaphoreType.DMA,
            pltpu.SemaphoreType.DMA,
        ],
    )
    def agg_kernel(y_hbm, row_hbm, col_hbm, zero_hbm, out_hbm,
                   rowv, colv, gb0, gb1, acc, sg0, sg1, ss0, ss1):
        cid = lax.axis_index("c")
        sid = lax.axis_index("s")
        pltpu.sync_copy(
            zero_hbm.at[pl.ds(sid * rps, rps)], acc.at[pl.ds(sid * rps, rps)]
        )
        plsc.subcore_barrier()

        def do_phase(base):
            pltpu.sync_copy(row_hbm.at[pl.ds(base, ph)], rowv)
            pltpu.sync_copy(col_hbm.at[pl.ds(base, ph)], colv)
            pltpu.async_copy(y_hbm.at[rowv.at[0]], gb0, sg0)
            pltpu.async_copy(y_hbm.at[rowv.at[1]], gb1, sg1)

            @pl.loop(0, ph, step=2)
            def _(j):
                pltpu.make_async_copy(y_hbm.at[rowv.at[j]], gb0, sg0).wait()
                pltpu.async_copy(gb0, acc.at[colv.at[j]], ss0, add=True)
                pltpu.make_async_copy(y_hbm.at[rowv.at[j + 1]], gb1, sg1).wait()
                pltpu.async_copy(gb1, acc.at[colv.at[j + 1]], ss1, add=True)

                @pl.when(j + 2 < ph)
                def _():
                    pltpu.make_async_copy(gb0, acc.at[colv.at[j]], ss0).wait()
                    pltpu.async_copy(y_hbm.at[rowv.at[j + 2]], gb0, sg0)
                    pltpu.make_async_copy(gb1, acc.at[colv.at[j + 1]], ss1).wait()
                    pltpu.async_copy(y_hbm.at[rowv.at[j + 3]], gb1, sg1)

            pltpu.make_async_copy(gb0, acc.at[colv.at[ph - 2]], ss0).wait()
            pltpu.make_async_copy(gb1, acc.at[colv.at[ph - 1]], ss1).wait()

        nph = 3 - 2 * cid
        base0 = cid * (NS * 3 * ph) + sid * nph * ph

        @pl.loop(0, nph)
        def _(p):
            do_phase(base0 + p * ph)

        plsc.subcore_barrier()
        pltpu.sync_copy(
            acc.at[pl.ds(sid * rps, rps)],
            out_hbm.at[cid, pl.ds(sid * rps, rps)],
        )

    return agg_kernel(y, row2d, col2d, zeros_npd)


def _matmul1(x_pad, w1):
    def body(x_ref, w_ref, o_ref):
        o_ref[...] = jnp.dot(
            x_ref[...], w_ref[...],
            preferred_element_type=jnp.float32,
            precision=lax.Precision.HIGHEST,
        )

    return pl.pallas_call(
        body,
        out_shape=jax.ShapeDtypeStruct((x_pad.shape[0], w1.shape[1]), jnp.float32),
    )(x_pad, w1)


def _scale1(deg_parts, xw):
    def body(dp_ref, xw_ref, y_ref, dis_ref):
        deg = 1.0 + dp_ref[0, :, :1] + dp_ref[1, :, :1]
        dis = lax.rsqrt(deg)
        dis_ref[...] = dis
        y_ref[...] = (dis * xw_ref[...]).astype(jnp.bfloat16)

    n_pad = xw.shape[0]
    return pl.pallas_call(
        body,
        out_shape=(
            jax.ShapeDtypeStruct((n_pad, xw.shape[1]), jnp.bfloat16),
            jax.ShapeDtypeStruct((n_pad, 1), jnp.float32),
        ),
    )(deg_parts, xw)


def _layer2(p1, y1, dis, b1, w2p, n_real):
    def body(p_ref, y_ref, dis_ref, b_ref, w_ref, o_ref):
        dis = dis_ref[...]
        agg = (p_ref[0].astype(jnp.float32) + p_ref[1].astype(jnp.float32)
               + y_ref[...].astype(jnp.float32))
        t = dis * agg + b_ref[...]
        h = jnp.maximum(t, 0.0)
        rows = lax.broadcasted_iota(jnp.int32, h.shape, 0)
        h = jnp.where(rows < n_real, h, 0.0)
        hw = jnp.dot(
            h, w_ref[...],
            preferred_element_type=jnp.float32,
            precision=lax.Precision.HIGHEST,
        )
        o_ref[...] = (dis * hw).astype(jnp.bfloat16)

    n_pad = y1.shape[0]
    return pl.pallas_call(
        body,
        out_shape=jax.ShapeDtypeStruct((n_pad, w2p.shape[1]), jnp.bfloat16),
    )(p1, y1, dis, b1.reshape(1, -1), w2p)


def _final(p2, y2, dis, b2p, n_real, c_real):
    def body(p_ref, y_ref, dis_ref, b_ref, o_ref):
        agg = (p_ref[0].astype(jnp.float32) + p_ref[1].astype(jnp.float32)
               + y_ref[...].astype(jnp.float32))
        z = dis_ref[...] * agg + b_ref[...]
        cols = lax.broadcasted_iota(jnp.int32, z.shape, 1)
        mask = cols < c_real
        neg = jnp.float32(-1e30)
        zm = jnp.where(mask, z, neg)
        m = jnp.max(zm, axis=1, keepdims=True)
        s = jnp.sum(jnp.where(mask, jnp.exp(z - m), 0.0), axis=1, keepdims=True)
        res = z - m - jnp.log(s)
        o_ref[...] = res[:n_real, :c_real]

    return pl.pallas_call(
        body,
        out_shape=jax.ShapeDtypeStruct((n_real, c_real), jnp.float32),
    )(p2, y2, dis, b2p.reshape(1, -1))


def kernel(x, edge_index, W1, b1, W2, b2):
    n = x.shape[0]
    f_in = x.shape[1]
    hid = W1.shape[1]
    n_cls = W2.shape[1]
    e = edge_index.shape[1]

    n_pad = -(-(n + 1) // 128) * 128
    e_pad = -(-e // (64 * 8 * CHUNK)) * (64 * 8 * CHUNK)
    nch = e_pad // CHUNK
    cpw = nch // NW
    d2 = -(-n_cls // 32) * 32

    row = edge_index[0].astype(jnp.int32)
    col = edge_index[1].astype(jnp.int32)
    pad_idx = jnp.full((e_pad - e,), n, jnp.int32)
    row2d = jnp.concatenate([row, pad_idx]).reshape(e_pad // CHUNK, CHUNK)
    col2d = jnp.concatenate([col, pad_idx]).reshape(e_pad // CHUNK, CHUNK)

    x_pad = jnp.zeros((n_pad, f_in), jnp.float32).at[:n].set(x)
    w2p = jnp.zeros((hid, d2), jnp.float32).at[:, :n_cls].set(W2)
    b2p = jnp.zeros((d2,), jnp.float32).at[:n_cls].set(b2)

    ones_src = jnp.ones((CHUNK, 16), jnp.float32)
    z16 = jnp.zeros((n_pad, 16), jnp.float32)
    zd1 = jnp.zeros((n_pad, hid), jnp.bfloat16)
    zd2 = jnp.zeros((n_pad, d2), jnp.bfloat16)

    deg_parts = _deg_call(col2d, ones_src, z16, n_pad, cpw)
    xw = _matmul1(x_pad, W1)
    y1, dis = _scale1(deg_parts, xw)
    p1 = _agg_call(y1, row2d, col2d, zd1, n_pad, nch, hid)
    y2 = _layer2(p1, y1, dis, b1, w2p, n)
    p2 = _agg_call(y2, row2d, col2d, zd2, n_pad, nch, d2)
    return _final(p2, y2, dis, b2p, n, n_cls)

# --- scband reference (transcript-rebuilt; emitter-appended) ---
"""Pipeline reference for scband-net-36799279792943 (READ-ONLY COPY).

The authoritative reference and input builder live on the scoring server;
editing this copy changes nothing except your own understanding.
"""

import jax, jax.numpy as jnp
import numpy as np

N_NODES = 10000
N_EDGES = 320000
F_IN = 128
HID = 128
N_CLASSES = 40


def setup_inputs(seed: int = 0) -> dict:
    key = jax.random.key(seed)
    k1, k2, k3, k4 = jax.random.split(key, 4)
    x = jax.random.normal(k1, (N_NODES, F_IN), dtype=jnp.float32)
    edge_index = jax.random.randint(k2, (2, N_EDGES), 0, N_NODES, dtype=jnp.int64)
    # GCNConv weights (glorot-ish) and biases
    W1 = jax.random.normal(k3, (F_IN, HID), dtype=jnp.float32) * (1.0 / np.sqrt(F_IN))
    b1 = jnp.zeros((HID,), dtype=jnp.float32)
    W2 = jax.random.normal(k4, (HID, N_CLASSES), dtype=jnp.float32) * (1.0 / np.sqrt(HID))
    b2 = jnp.zeros((N_CLASSES,), dtype=jnp.float32)
    return {"x": x, "edge_index": edge_index, "W1": W1, "b1": b1, "W2": W2, "b2": b2}


def _gcn_conv(x, W, b, row, col, norm, num_nodes):
    # x' = D^{-1/2} (A + I) D^{-1/2} (x W) + b
    xw = x @ W
    msg = xw[row] * norm[:, None]
    out = jax.ops.segment_sum(msg, col, num_segments=num_nodes)
    return out + b


def reference(x, edge_index, W1, b1, W2, b2):
    num_nodes = x.shape[0]
    # add self-loops (GCNConv default)
    loop = jnp.arange(num_nodes, dtype=edge_index.dtype)
    row = jnp.concatenate([edge_index[0], loop])
    col = jnp.concatenate([edge_index[1], loop])
    # symmetric normalization
    ones = jnp.ones(row.shape[0], dtype=x.dtype)
    deg = jax.ops.segment_sum(ones, col, num_segments=num_nodes)
    deg_inv_sqrt = jnp.where(deg > 0, deg ** -0.5, 0.0)
    norm = deg_inv_sqrt[row] * deg_inv_sqrt[col]
    h = _gcn_conv(x, W1, b1, row, col, norm, num_nodes)
    h = jax.nn.relu(h)
    # dropout is a no-op in eval mode (training=False)
    h = _gcn_conv(h, W2, b2, row, col, norm, num_nodes)
    return jax.nn.log_softmax(h, axis=1)

if __name__ == "__main__":
    import jax
    _d = setup_inputs()
    print(jax.jit(kernel)(*tuple(_d.values())))

</pallas_src>

<mosaic_0001>
#map = affine_map<(d0, d1) -> (0, 0)>
#map1 = affine_map<(d0, d1) -> (0, 0, 0)>
module attributes {stable_mosaic.version = 14 : i64} {
  func.func @agg_kernel(%arg0: i32, %arg1: i32, %arg2: memref<10112x128xbf16, #tpu.memory_space<hbm>>, %arg3: memref<2560x128xi32, #tpu.memory_space<hbm>>, %arg4: memref<2560x128xi32, #tpu.memory_space<hbm>>, %arg5: memref<10112x128xbf16, #tpu.memory_space<hbm>>, %arg6: memref<2x10112x128xbf16, #tpu.memory_space<hbm>>, %arg7: memref<40x128xi32, #tpu.memory_space<vmem>>, %arg8: memref<40x128xi32, #tpu.memory_space<vmem>>, %arg9: memref<128x128xbf16, #tpu.memory_space<vmem>>, %arg10: memref<128x128xbf16, #tpu.memory_space<vmem>>, %arg11: memref<10112x128xbf16, #tpu.memory_space<vmem_shared>>, %arg12: memref<!tpu.dma_semaphore, #tpu.memory_space<semaphore_mem>>, %arg13: memref<!tpu.dma_semaphore, #tpu.memory_space<semaphore_mem>>, %arg14: memref<!tpu.dma_semaphore, #tpu.memory_space<semaphore_mem>>, %arg15: memref<!tpu.dma_semaphore, #tpu.memory_space<semaphore_mem>>) attributes {dimension_semantics = [#tpu.dimension_semantics<core_parallel>, #tpu.dimension_semantics<subcore_parallel>], iteration_bounds = array<i64: 2, 16>, scalar_prefetch = 0 : i64, scratch_operands = 9 : i64, tpu.core_type = #tpu.core_type<sc_vector_subcore>, window_params = [{transform_indices = #map}, {transform_indices = #map}, {transform_indices = #map}, {transform_indices = #map}, {transform_indices = #map1}]} {
    %mul3A = arith.constant 632 : i32
    %mul3A_0 = arith.muli %arg1, %mul3A : i32
    %mul3A_1 = arith.constant 632 : i32
    %mul3A_2 = arith.muli %arg1, %mul3A_1 : i32
    "tpu.region"() ({
      %run_scoped3A = tpu.sem_alloc : memref<!tpu.dma_semaphore, #tpu.memory_space<semaphore_mem>>
      %dma_start3A = arith.constant 0 : i32
      %dma_start3A_33 = tpu.memref_slice %arg11[%mul3A_2, %dma_start3A] : memref<10112x128xbf16, #tpu.memory_space<vmem_shared>> -> memref<632x128xbf16, #tpu.memory_space<vmem_shared>>
      %dma_start3A_34 = arith.constant 0 : i32
      %dma_start3A_35 = tpu.memref_slice %arg5[%mul3A_0, %dma_start3A_34] : memref<10112x128xbf16, #tpu.memory_space<hbm>> -> memref<632x128xbf16, #tpu.memory_space<hbm>>
      tpu.enqueue_dma source(%dma_start3A_35 : memref<632x128xbf16, #tpu.memory_space<hbm>>) target(%dma_start3A_33 : memref<632x128xbf16, #tpu.memory_space<vmem_shared>>) target_semaphore(%run_scoped3A : memref<!tpu.dma_semaphore, #tpu.memory_space<semaphore_mem>>)
      %dma_wait3A = arith.constant 0 : i32
      %dma_wait3A_36 = tpu.memref_slice %arg11[%mul3A_2, %dma_wait3A] : memref<10112x128xbf16, #tpu.memory_space<vmem_shared>> -> memref<632x128xbf16, #tpu.memory_space<vmem_shared>>
      %dma_wait3A_37 = arith.constant 0 : i32
      %dma_wait3A_38 = tpu.memref_slice %arg5[%mul3A_0, %dma_wait3A_37] : memref<10112x128xbf16, #tpu.memory_space<hbm>> -> memref<632x128xbf16, #tpu.memory_space<hbm>>
      tpu.wait_dma2 semaphore(%run_scoped3A : memref<!tpu.dma_semaphore, #tpu.memory_space<semaphore_mem>>) src(%dma_wait3A_38 : memref<632x128xbf16, #tpu.memory_space<hbm>>) dst(%dma_wait3A_36 : memref<632x128xbf16, #tpu.memory_space<vmem_shared>>)
      tpu.yield
    }) : () -> ()
    %barrier3A = arith.constant 0 : index
    tpu.barrier barrier_id(%barrier3A)
    %mul3A_3 = arith.constant 2 : i32
    %mul3A_4 = arith.muli %mul3A_3, %arg0 : i32
    %sub3A = arith.constant 3 : i32
    %sub3A_5 = arith.subi %sub3A, %mul3A_4 : i32
    %mul3A_6 = arith.constant 1920 : i32
    %mul3A_7 = arith.muli %arg0, %mul3A_6 : i32
    %mul3A_8 = arith.muli %arg1, %sub3A_5 : i32
    %mul3A_9 = arith.constant 40 : i32
    %mul3A_10 = arith.muli %mul3A_8, %mul3A_9 : i32
    %add3A = arith.addi %mul3A_7, %mul3A_10 : i32
    %sub3A_11 = arith.constant 0 : i32
    %sub3A_12 = arith.subi %sub3A_5, %sub3A_11 : i32
    %sub3A_13 = arith.constant 1 : i32
    %sub3A_14 = arith.constant 1 : i32
    %sub3A_15 = arith.subi %sub3A_13, %sub3A_14 : i32
    %add3A_16 = arith.addi %sub3A_12, %sub3A_15 : i32
    %div3A = arith.constant 1 : i32
    %div3A_17 = arith.divsi %add3A_16, %div3A : i32
    %while3A = arith.constant 1 : i32
    %while3A_18 = arith.constant 0 : i32
    %while3A_19 = arith.constant 0 : i32
    %while3A_20 = arith.subi %div3A_17, %while3A_19 : i32
    %while3A_21 = arith.addi %while3A_19, %while3A_20 : i32
    %while3A_22 = arith.constant 1 : i32
    %while3A_23 = arith.divsi %while3A_20, %while3A_22 : i32
    %while3A_24 = arith.muli %while3A_23, %while3A_22 : i32
    %while3A_25 = arith.addi %while3A_19, %while3A_24 : i32
    %while3A_26 = arith.constant 1 : i32
    scf.for %while3A_33 = %while3A_19 to %while3A_25 step %while3A_26  : i32 {
      %mul3A_34 = arith.muli %while3A_33, %while3A : i32
      %add3A_35 = arith.addi %while3A_18, %mul3A_34 : i32
      %mul3A_36 = arith.constant 40 : i32
      %mul3A_37 = arith.muli %add3A_35, %mul3A_36 : i32
      %add3A_38 = arith.addi %add3A, %mul3A_37 : i32
      "tpu.region"() ({
        %run_scoped3A = tpu.sem_alloc : memref<!tpu.dma_semaphore, #tpu.memory_space<semaphore_mem>>
        %dma_start3A_69 = arith.constant 0 : i32
        %dma_start3A_70 = tpu.memref_slice %arg3[%add3A_38, %dma_start3A_69] : memref<2560x128xi32, #tpu.memory_space<hbm>> -> memref<40x128xi32, #tpu.memory_space<hbm>>
        %dma_start3A_71 = arith.constant 0 : i32
        %dma_start3A_72 = tpu.memref_slice %arg3[%add3A_38, %dma_start3A_71] : memref<2560x128xi32, #tpu.memory_space<hbm>> -> memref<40x128xi32, #tpu.memory_space<hbm>>
        tpu.enqueue_dma source(%dma_start3A_72 : memref<40x128xi32, #tpu.memory_space<hbm>>) target(%arg7 : memref<40x128xi32, #tpu.memory_space<vmem>>) target_semaphore(%run_scoped3A : memref<!tpu.dma_semaphore, #tpu.memory_space<semaphore_mem>>)
        %dma_wait3A_73 = arith.constant 0 : i32
        %dma_wait3A_74 = tpu.memref_slice %arg3[%add3A_38, %dma_wait3A_73] : memref<2560x128xi32, #tpu.memory_space<hbm>> -> memref<40x128xi32, #tpu.memory_space<hbm>>
        %dma_wait3A_75 = arith.constant 0 : i32
        %dma_wait3A_76 = tpu.memref_slice %arg3[%add3A_38, %dma_wait3A_75] : memref<2560x128xi32, #tpu.memory_space<hbm>> -> memref<40x128xi32, #tpu.memory_space<hbm>>
        tpu.wait_dma2 semaphore(%run_scoped3A : memref<!tpu.dma_semaphore, #tpu.memory_space<semaphore_mem>>) src(%dma_wait3A_76 : memref<40x128xi32, #tpu.memory_space<hbm>>) dst(%arg7 : memref<40x128xi32, #tpu.memory_space<vmem>>)
        tpu.yield
      }) : () -> ()
      "tpu.region"() ({
        %run_scoped3A = tpu.sem_alloc : memref<!tpu.dma_semaphore, #tpu.memory_space<semaphore_mem>>
        %dma_start3A_69 = arith.constant 0 : i32
        %dma_start3A_70 = tpu.memref_slice %arg4[%add3A_38, %dma_start3A_69] : memref<2560x128xi32, #tpu.memory_space<hbm>> -> memref<40x128xi32, #tpu.memory_space<hbm>>
        %dma_start3A_71 = arith.constant 0 : i32
        %dma_start3A_72 = tpu.memref_slice %arg4[%add3A_38, %dma_start3A_71] : memref<2560x128xi32, #tpu.memory_space<hbm>> -> memref<40x128xi32, #tpu.memory_space<hbm>>
        tpu.enqueue_dma source(%dma_start3A_72 : memref<40x128xi32, #tpu.memory_space<hbm>>) target(%arg8 : memref<40x128xi32, #tpu.memory_space<vmem>>) target_semaphore(%run_scoped3A : memref<!tpu.dma_semaphore, #tpu.memory_space<semaphore_mem>>)
        %dma_wait3A_73 = arith.constant 0 : i32
        %dma_wait3A_74 = tpu.memref_slice %arg4[%add3A_38, %dma_wait3A_73] : memref<2560x128xi32, #tpu.memory_space<hbm>> -> memref<40x128xi32, #tpu.memory_space<hbm>>
        %dma_wait3A_75 = arith.constant 0 : i32
        %dma_wait3A_76 = tpu.memref_slice %arg4[%add3A_38, %dma_wait3A_75] : memref<2560x128xi32, #tpu.memory_space<hbm>> -> memref<40x128xi32, #tpu.memory_space<hbm>>
        tpu.wait_dma2 semaphore(%run_scoped3A : memref<!tpu.dma_semaphore, #tpu.memory_space<semaphore_mem>>) src(%dma_wait3A_76 : memref<40x128xi32, #tpu.memory_space<hbm>>) dst(%arg8 : memref<40x128xi32, #tpu.memory_space<vmem>>)
        tpu.yield
      }) : () -> ()
      %dma_start3A = arith.constant 0 : i32
      %dma_start3A_39 = arith.constant 0 : i32
      %dma_start3A_40 = tpu.memref_slice %arg7[%dma_start3A, %dma_start3A_39] : memref<40x128xi32, #tpu.memory_space<vmem>> -> memref<1x128xi32, #tpu.memory_space<vmem>>
      %dma_start3A_41 = tpu.memref_squeeze %dma_start3A_40 : memref<1x128xi32, #tpu.memory_space<vmem>> -> memref<128xi32, #tpu.memory_space<vmem>>
      %dma_start3A_42 = arith.constant 0 : i32
      %dma_start3A_43 = arith.constant 0 : i32
      %dma_start3A_44 = tpu.memref_slice %arg2[%dma_start3A_42, %dma_start3A_43] : memref<10112x128xbf16, #tpu.memory_space<hbm>> -> memref<10112x128xbf16, #tpu.memory_space<hbm>>
      tpu.enqueue_indirect_dma source(%dma_start3A_44 : memref<10112x128xbf16, #tpu.memory_space<hbm>>) target(%arg9 : memref<128x128xbf16, #tpu.memory_space<vmem>>) offsets(%dma_start3A_41 : memref<128xi32, #tpu.memory_space<vmem>>) semaphore(%arg12 : memref<!tpu.dma_semaphore, #tpu.memory_space<semaphore_mem>>)
      %dma_start3A_45 = arith.constant 1 : i32
      %dma_start3A_46 = arith.constant 0 : i32
      %dma_start3A_47 = tpu.memref_slice %arg7[%dma_start3A_45, %dma_start3A_46] : memref<40x128xi32, #tpu.memory_space<vmem>> -> memref<1x128xi32, #tpu.memory_space<vmem>>
      %dma_start3A_48 = tpu.memref_squeeze %dma_start3A_47 : memref<1x128xi32, #tpu.memory_space<vmem>> -> memref<128xi32, #tpu.memory_space<vmem>>
      %dma_start3A_49 = arith.constant 0 : i32
      %dma_start3A_50 = arith.constant 0 : i32
      %dma_start3A_51 = tpu.memref_slice %arg2[%dma_start3A_49, %dma_start3A_50] : memref<10112x128xbf16, #tpu.memory_space<hbm>> -> memref<10112x128xbf16, #tpu.memory_space<hbm>>
      tpu.enqueue_indirect_dma source(%dma_start3A_51 : memref<10112x128xbf16, #tpu.memory_space<hbm>>) target(%arg10 : memref<128x128xbf16, #tpu.memory_space<vmem>>) offsets(%dma_start3A_48 : memref<128xi32, #tpu.memory_space<vmem>>) semaphore(%arg13 : memref<!tpu.dma_semaphore, #tpu.memory_space<semaphore_mem>>)
      %scan3A = arith.constant 0 : i32
      %scan3A_52 = arith.constant 20 : i32
      %scan3A_53 = arith.addi %scan3A, %scan3A_52 : i32
      %scan3A_54 = arith.constant 1 : i32
      scf.for %scan3A_69 = %scan3A to %scan3A_53 step %scan3A_54  : i32 {
        %mul3A_70 = arith.constant 2 : i32
        %mul3A_71 = arith.muli %scan3A_69, %mul3A_70 : i32
        %add3A_72 = arith.constant 0 : i32
        %add3A_73 = arith.addi %add3A_72, %mul3A_71 : i32
        %dma_wait3A_74 = arith.constant 0 : i32
        %dma_wait3A_75 = tpu.memref_slice %arg7[%add3A_73, %dma_wait3A_74] : memref<40x128xi32, #tpu.memory_space<vmem>> -> memref<1x128xi32, #tpu.memory_space<vmem>>
        %dma_wait3A_76 = tpu.memref_squeeze %dma_wait3A_75 : memref<1x128xi32, #tpu.memory_space<vmem>> -> memref<128xi32, #tpu.memory_space<vmem>>
        %dma_wait3A_77 = arith.constant 0 : i32
        %dma_wait3A_78 = arith.constant 0 : i32
        %dma_wait3A_79 = tpu.memref_slice %arg2[%dma_wait3A_77, %dma_wait3A_78] : memref<10112x128xbf16, #tpu.memory_space<hbm>> -> memref<10112x128xbf16, #tpu.memory_space<hbm>>
        tpu.wait_indirect_dma semaphore(%arg12 : memref<!tpu.dma_semaphore, #tpu.memory_space<semaphore_mem>>) src(%dma_wait3A_79 : memref<10112x128xbf16, #tpu.memory_space<hbm>>) dst(%arg9 : memref<128x128xbf16, #tpu.memory_space<vmem>>)
        %dma_start3A_80 = arith.constant 0 : i32
        %dma_start3A_81 = tpu.memref_slice %arg8[%add3A_73, %dma_start3A_80] : memref<40x128xi32, #tpu.memory_space<vmem>> -> memref<1x128xi32, #tpu.memory_space<vmem>>
        %dma_start3A_82 = tpu.memref_squeeze %dma_start3A_81 : memref<1x128xi32, #tpu.memory_space<vmem>> -> memref<128xi32, #tpu.memory_space<vmem>>
        %dma_start3A_83 = arith.constant 0 : i32
        %dma_start3A_84 = arith.constant 0 : i32
        %dma_start3A_85 = tpu.memref_slice %arg11[%dma_start3A_83, %dma_start3A_84] : memref<10112x128xbf16, #tpu.memory_space<vmem_shared>> -> memref<10112x128xbf16, #tpu.memory_space<vmem_shared>>
        tpu.enqueue_indirect_dma source(%arg9 : memref<128x128xbf16, #tpu.memory_space<vmem>>) target(%dma_start3A_85 : memref<10112x128xbf16, #tpu.memory_space<vmem_shared>>) offsets(%dma_start3A_82 : memref<128xi32, #tpu.memory_space<vmem>>) semaphore(%arg14 : memref<!tpu.dma_semaphore, #tpu.memory_space<semaphore_mem>>) {add = true}
        %add3A_86 = arith.constant 1 : i32
        %add3A_87 = arith.addi %add3A_73, %add3A_86 : i32
        %dma_wait3A_88 = arith.constant 0 : i32
        %dma_wait3A_89 = tpu.memref_slice %arg7[%add3A_87, %dma_wait3A_88] : memref<40x128xi32, #tpu.memory_space<vmem>> -> memref<1x128xi32, #tpu.memory_space<vmem>>
        %dma_wait3A_90 = tpu.memref_squeeze %dma_wait3A_89 : memref<1x128xi32, #tpu.memory_space<vmem>> -> memref<128xi32, #tpu.memory_space<vmem>>
        %dma_wait3A_91 = arith.constant 0 : i32
        %dma_wait3A_92 = arith.constant 0 : i32
        %dma_wait3A_93 = tpu.memref_slice %arg2[%dma_wait3A_91, %dma_wait3A_92] : memref<10112x128xbf16, #tpu.memory_space<hbm>> -> memref<10112x128xbf16, #tpu.memory_space<hbm>>
        tpu.wait_indirect_dma semaphore(%arg13 : memref<!tpu.dma_semaphore, #tpu.memory_space<semaphore_mem>>) src(%dma_wait3A_93 : memref<10112x128xbf16, #tpu.memory_space<hbm>>) dst(%arg10 : memref<128x128xbf16, #tpu.memory_space<vmem>>)
        %add3A_94 = arith.constant 1 : i32
        %add3A_95 = arith.addi %add3A_73, %add3A_94 : i32
        %dma_start3A_96 = arith.constant 0 : i32
        %dma_start3A_97 = tpu.memref_slice %arg8[%add3A_95, %dma_start3A_96] : memref<40x128xi32, #tpu.memory_space<vmem>> -> memref<1x128xi32, #tpu.memory_space<vmem>>
        %dma_start3A_98 = tpu.memref_squeeze %dma_start3A_97 : memref<1x128xi32, #tpu.memory_space<vmem>> -> memref<128xi32, #tpu.memory_space<vmem>>
        %dma_start3A_99 = arith.constant 0 : i32
        %dma_start3A_100 = arith.constant 0 : i32
        %dma_start3A_101 = tpu.memref_slice %arg11[%dma_start3A_99, %dma_start3A_100] : memref<10112x128xbf16, #tpu.memory_space<vmem_shared>> -> memref<10112x128xbf16, #tpu.memory_space<vmem_shared>>
        tpu.enqueue_indirect_dma source(%arg10 : memref<128x128xbf16, #tpu.memory_space<vmem>>) target(%dma_start3A_101 : memref<10112x128xbf16, #tpu.memory_space<vmem_shared>>) offsets(%dma_start3A_98 : memref<128xi32, #tpu.memory_space<vmem>>) semaphore(%arg15 : memref<!tpu.dma_semaphore, #tpu.memory_space<semaphore_mem>>) {add = true}
        %add3A_102 = arith.constant 2 : i32
        %add3A_103 = arith.addi %add3A_73, %add3A_102 : i32
        %lt3A = arith.constant 40 : i32
        %lt3A_104 = arith.cmpi slt, %add3A_103, %lt3A : i32
        %convert_element_type3A = arith.extui %lt3A_104 : i1 to i32
        %cond3A = arith.constant 0 : i32
        %cond3A_105 = arith.cmpi ne, %convert_element_type3A, %cond3A : i32
        scf.if %cond3A_105 {
          %dma_wait3A_106 = arith.constant 0 : i32
          %dma_wait3A_107 = tpu.memref_slice %arg8[%add3A_73, %dma_wait3A_106] : memref<40x128xi32, #tpu.memory_space<vmem>> -> memref<1x128xi32, #tpu.memory_space<vmem>>
          %dma_wait3A_108 = tpu.memref_squeeze %dma_wait3A_107 : memref<1x128xi32, #tpu.memory_space<vmem>> -> memref<128xi32, #tpu.memory_space<vmem>>
          %dma_wait3A_109 = arith.constant 0 : i32
          %dma_wait3A_110 = arith.constant 0 : i32
          %dma_wait3A_111 = tpu.memref_slice %arg11[%dma_wait3A_109, %dma_wait3A_110] : memref<10112x128xbf16, #tpu.memory_space<vmem_shared>> -> memref<10112x128xbf16, #tpu.memory_space<vmem_shared>>
          tpu.wait_indirect_dma semaphore(%arg14 : memref<!tpu.dma_semaphore, #tpu.memory_space<semaphore_mem>>) src(%arg9 : memref<128x128xbf16, #tpu.memory_space<vmem>>) dst(%dma_wait3A_111 : memref<10112x128xbf16, #tpu.memory_space<vmem_shared>>)
          %add3A_112 = arith.constant 2 : i32
          %add3A_113 = arith.addi %add3A_73, %add3A_112 : i32
          %dma_start3A_114 = arith.constant 0 : i32
          %dma_start3A_115 = tpu.memref_slice %arg7[%add3A_113, %dma_start3A_114] : memref<40x128xi32, #tpu.memory_space<vmem>> -> memref<1x128xi32, #tpu.memory_space<vmem>>
          %dma_start3A_116 = tpu.memref_squeeze %dma_start3A_115 : memref<1x128xi32, #tpu.memory_space<vmem>> -> memref<128xi32, #tpu.memory_space<vmem>>
          %dma_start3A_117 = arith.constant 0 : i32
          %dma_start3A_118 = arith.constant 0 : i32
          %dma_start3A_119 = tpu.memref_slice %arg2[%dma_start3A_117, %dma_start3A_118] : memref<10112x128xbf16, #tpu.memory_space<hbm>> -> memref<10112x128xbf16, #tpu.memory_space<hbm>>
          tpu.enqueue_indirect_dma source(%dma_start3A_119 : memref<10112x128xbf16, #tpu.memory_space<hbm>>) target(%arg9 : memref<128x128xbf16, #tpu.memory_space<vmem>>) offsets(%dma_start3A_116 : memref<128xi32, #tpu.memory_space<vmem>>) semaphore(%arg12 : memref<!tpu.dma_semaphore, #tpu.memory_space<semaphore_mem>>)
          %add3A_120 = arith.constant 1 : i32
          %add3A_121 = arith.addi %add3A_73, %add3A_120 : i32
          %dma_wait3A_122 = arith.constant 0 : i32
          %dma_wait3A_123 = tpu.memref_slice %arg8[%add3A_121, %dma_wait3A_122] : memref<40x128xi32, #tpu.memory_space<vmem>> -> memref<1x128xi32, #tpu.memory_space<vmem>>
          %dma_wait3A_124 = tpu.memref_squeeze %dma_wait3A_123 : memref<1x128xi32, #tpu.memory_space<vmem>> -> memref<128xi32, #tpu.memory_space<vmem>>
          %dma_wait3A_125 = arith.constant 0 : i32
          %dma_wait3A_126 = arith.constant 0 : i32
          %dma_wait3A_127 = tpu.memref_slice %arg11[%dma_wait3A_125, %dma_wait3A_126] : memref<10112x128xbf16, #tpu.memory_space<vmem_shared>> -> memref<10112x128xbf16, #tpu.memory_space<vmem_shared>>
          tpu.wait_indirect_dma semaphore(%arg15 : memref<!tpu.dma_semaphore, #tpu.memory_space<semaphore_mem>>) src(%arg10 : memref<128x128xbf16, #tpu.memory_space<vmem>>) dst(%dma_wait3A_127 : memref<10112x128xbf16, #tpu.memory_space<vmem_shared>>)
          %add3A_128 = arith.constant 3 : i32
          %add3A_129 = arith.addi %add3A_73, %add3A_128 : i32
          %dma_start3A_130 = arith.constant 0 : i32
          %dma_start3A_131 = tpu.memref_slice %arg7[%add3A_129, %dma_start3A_130] : memref<40x128xi32, #tpu.memory_space<vmem>> -> memref<1x128xi32, #tpu.memory_space<vmem>>
          %dma_start3A_132 = tpu.memref_squeeze %dma_start3A_131 : memref<1x128xi32, #tpu.memory_space<vmem>> -> memref<128xi32, #tpu.memory_space<vmem>>
          %dma_start3A_133 = arith.constant 0 : i32
          %dma_start3A_134 = arith.constant 0 : i32
          %dma_start3A_135 = tpu.memref_slice %arg2[%dma_start3A_133, %dma_start3A_134] : memref<10112x128xbf16, #tpu.memory_space<hbm>> -> memref<10112x128xbf16, #tpu.memory_space<hbm>>
          tpu.enqueue_indirect_dma source(%dma_start3A_135 : memref<10112x128xbf16, #tpu.memory_space<hbm>>) target(%arg10 : memref<128x128xbf16, #tpu.memory_space<vmem>>) offsets(%dma_start3A_132 : memref<128xi32, #tpu.memory_space<vmem>>) semaphore(%arg13 : memref<!tpu.dma_semaphore, #tpu.memory_space<semaphore_mem>>)
        } else {
        }
      }
      %scan3A_55 = arith.constant 20 : i32
      %dma_wait3A = arith.constant 38 : i32
      %dma_wait3A_56 = arith.constant 0 : i32
      %dma_wait3A_57 = tpu.memref_slice %arg8[%dma_wait3A, %dma_wait3A_56] : memref<40x128xi32, #tpu.memory_space<vmem>> -> memref<1x128xi32, #tpu.memory_space<vmem>>
      %dma_wait3A_58 = tpu.memref_squeeze %dma_wait3A_57 : memref<1x128xi32, #tpu.memory_space<vmem>> -> memref<128xi32, #tpu.memory_space<vmem>>
      %dma_wait3A_59 = arith.constant 0 : i32
      %dma_wait3A_60 = arith.constant 0 : i32
      %dma_wait3A_61 = tpu.memref_slice %arg11[%dma_wait3A_59, %dma_wait3A_60] : memref<10112x128xbf16, #tpu.memory_space<vmem_shared>> -> memref<10112x128xbf16, #tpu.memory_space<vmem_shared>>
      tpu.wait_indirect_dma semaphore(%arg14 : memref<!tpu.dma_semaphore, #tpu.memory_space<semaphore_mem>>) src(%arg9 : memref<128x128xbf16, #tpu.memory_space<vmem>>) dst(%dma_wait3A_61 : memref<10112x128xbf16, #tpu.memory_space<vmem_shared>>)
      %dma_wait3A_62 = arith.constant 39 : i32
      %dma_wait3A_63 = arith.constant 0 : i32
      %dma_wait3A_64 = tpu.memref_slice %arg8[%dma_wait3A_62, %dma_wait3A_63] : memref<40x128xi32, #tpu.memory_space<vmem>> -> memref<1x128xi32, #tpu.memory_space<vmem>>
      %dma_wait3A_65 = tpu.memref_squeeze %dma_wait3A_64 : memref<1x128xi32, #tpu.memory_space<vmem>> -> memref<128xi32, #tpu.memory_space<vmem>>
      %dma_wait3A_66 = arith.constant 0 : i32
      %dma_wait3A_67 = arith.constant 0 : i32
      %dma_wait3A_68 = tpu.memref_slice %arg11[%dma_wait3A_66, %dma_wait3A_67] : memref<10112x128xbf16, #tpu.memory_space<vmem_shared>> -> memref<10112x128xbf16, #tpu.memory_space<vmem_shared>>
      tpu.wait_indirect_dma semaphore(%arg15 : memref<!tpu.dma_semaphore, #tpu.memory_space<semaphore_mem>>) src(%arg10 : memref<128x128xbf16, #tpu.memory_space<vmem>>) dst(%dma_wait3A_68 : memref<10112x128xbf16, #tpu.memory_space<vmem_shared>>)
    }
    %while3A_27 = arith.constant 1 : i32
    scf.for %while3A_33 = %while3A_25 to %while3A_21 step %while3A_27  : i32 {
      %mul3A_34 = arith.muli %while3A_33, %while3A : i32
      %add3A_35 = arith.addi %while3A_18, %mul3A_34 : i32
      %mul3A_36 = arith.constant 40 : i32
      %mul3A_37 = arith.muli %add3A_35, %mul3A_36 : i32
      %add3A_38 = arith.addi %add3A, %mul3A_37 : i32
      "tpu.region"() ({
        %run_scoped3A = tpu.sem_alloc : memref<!tpu.dma_semaphore, #tpu.memory_space<semaphore_mem>>
        %dma_start3A_69 = arith.constant 0 : i32
        %dma_start3A_70 = tpu.memref_slice %arg3[%add3A_38, %dma_start3A_69] : memref<2560x128xi32, #tpu.memory_space<hbm>> -> memref<40x128xi32, #tpu.memory_space<hbm>>
        %dma_start3A_71 = arith.constant 0 : i32
        %dma_start3A_72 = tpu.memref_slice %arg3[%add3A_38, %dma_start3A_71] : memref<2560x128xi32, #tpu.memory_space<hbm>> -> memref<40x128xi32, #tpu.memory_space<hbm>>
        tpu.enqueue_dma source(%dma_start3A_72 : memref<40x128xi32, #tpu.memory_space<hbm>>) target(%arg7 : memref<40x128xi32, #tpu.memory_space<vmem>>) target_semaphore(%run_scoped3A : memref<!tpu.dma_semaphore, #tpu.memory_space<semaphore_mem>>)
        %dma_wait3A_73 = arith.constant 0 : i32
        %dma_wait3A_74 = tpu.memref_slice %arg3[%add3A_38, %dma_wait3A_73] : memref<2560x128xi32, #tpu.memory_space<hbm>> -> memref<40x128xi32, #tpu.memory_space<hbm>>
        %dma_wait3A_75 = arith.constant 0 : i32
        %dma_wait3A_76 = tpu.memref_slice %arg3[%add3A_38, %dma_wait3A_75] : memref<2560x128xi32, #tpu.memory_space<hbm>> -> memref<40x128xi32, #tpu.memory_space<hbm>>
        tpu.wait_dma2 semaphore(%run_scoped3A : memref<!tpu.dma_semaphore, #tpu.memory_space<semaphore_mem>>) src(%dma_wait3A_76 : memref<40x128xi32, #tpu.memory_space<hbm>>) dst(%arg7 : memref<40x128xi32, #tpu.memory_space<vmem>>)
        tpu.yield
      }) : () -> ()
      "tpu.region"() ({
        %run_scoped3A = tpu.sem_alloc : memref<!tpu.dma_semaphore, #tpu.memory_space<semaphore_mem>>
        %dma_start3A_69 = arith.constant 0 : i32
        %dma_start3A_70 = tpu.memref_slice %arg4[%add3A_38, %dma_start3A_69] : memref<2560x128xi32, #tpu.memory_space<hbm>> -> memref<40x128xi32, #tpu.memory_space<hbm>>
        %dma_start3A_71 = arith.constant 0 : i32
        %dma_start3A_72 = tpu.memref_slice %arg4[%add3A_38, %dma_start3A_71] : memref<2560x128xi32, #tpu.memory_space<hbm>> -> memref<40x128xi32, #tpu.memory_space<hbm>>
        tpu.enqueue_dma source(%dma_start3A_72 : memref<40x128xi32, #tpu.memory_space<hbm>>) target(%arg8 : memref<40x128xi32, #tpu.memory_space<vmem>>) target_semaphore(%run_scoped3A : memref<!tpu.dma_semaphore, #tpu.memory_space<semaphore_mem>>)
        %dma_wait3A_73 = arith.constant 0 : i32
        %dma_wait3A_74 = tpu.memref_slice %arg4[%add3A_38, %dma_wait3A_73] : memref<2560x128xi32, #tpu.memory_space<hbm>> -> memref<40x128xi32, #tpu.memory_space<hbm>>
        %dma_wait3A_75 = arith.constant 0 : i32
        %dma_wait3A_76 = tpu.memref_slice %arg4[%add3A_38, %dma_wait3A_75] : memref<2560x128xi32, #tpu.memory_space<hbm>> -> memref<40x128xi32, #tpu.memory_space<hbm>>
        tpu.wait_dma2 semaphore(%run_scoped3A : memref<!tpu.dma_semaphore, #tpu.memory_space<semaphore_mem>>) src(%dma_wait3A_76 : memref<40x128xi32, #tpu.memory_space<hbm>>) dst(%arg8 : memref<40x128xi32, #tpu.memory_space<vmem>>)
        tpu.yield
      }) : () -> ()
      %dma_start3A = arith.constant 0 : i32
      %dma_start3A_39 = arith.constant 0 : i32
      %dma_start3A_40 = tpu.memref_slice %arg7[%dma_start3A, %dma_start3A_39] : memref<40x128xi32, #tpu.memory_space<vmem>> -> memref<1x128xi32, #tpu.memory_space<vmem>>
      %dma_start3A_41 = tpu.memref_squeeze %dma_start3A_40 : memref<1x128xi32, #tpu.memory_space<vmem>> -> memref<128xi32, #tpu.memory_space<vmem>>
      %dma_start3A_42 = arith.constant 0 : i32
      %dma_start3A_43 = arith.constant 0 : i32
      %dma_start3A_44 = tpu.memref_slice %arg2[%dma_start3A_42, %dma_start3A_43] : memref<10112x128xbf16, #tpu.memory_space<hbm>> -> memref<10112x128xbf16, #tpu.memory_space<hbm>>
      tpu.enqueue_indirect_dma source(%dma_start3A_44 : memref<10112x128xbf16, #tpu.memory_space<hbm>>) target(%arg9 : memref<128x128xbf16, #tpu.memory_space<vmem>>) offsets(%dma_start3A_41 : memref<128xi32, #tpu.memory_space<vmem>>) semaphore(%arg12 : memref<!tpu.dma_semaphore, #tpu.memory_space<semaphore_mem>>)
      %dma_start3A_45 = arith.constant 1 : i32
      %dma_start3A_46 = arith.constant 0 : i32
      %dma_start3A_47 = tpu.memref_slice %arg7[%dma_start3A_45, %dma_start3A_46] : memref<40x128xi32, #tpu.memory_space<vmem>> -> memref<1x128xi32, #tpu.memory_space<vmem>>
      %dma_start3A_48 = tpu.memref_squeeze %dma_start3A_47 : memref<1x128xi32, #tpu.memory_space<vmem>> -> memref<128xi32, #tpu.memory_space<vmem>>
      %dma_start3A_49 = arith.constant 0 : i32
      %dma_start3A_50 = arith.constant 0 : i32
      %dma_start3A_51 = tpu.memref_slice %arg2[%dma_start3A_49, %dma_start3A_50] : memref<10112x128xbf16, #tpu.memory_space<hbm>> -> memref<10112x128xbf16, #tpu.memory_space<hbm>>
      tpu.enqueue_indirect_dma source(%dma_start3A_51 : memref<10112x128xbf16, #tpu.memory_space<hbm>>) target(%arg10 : memref<128x128xbf16, #tpu.memory_space<vmem>>) offsets(%dma_start3A_48 : memref<128xi32, #tpu.memory_space<vmem>>) semaphore(%arg13 : memref<!tpu.dma_semaphore, #tpu.memory_space<semaphore_mem>>)
      %scan3A = arith.constant 0 : i32
      %scan3A_52 = arith.constant 20 : i32
      %scan3A_53 = arith.addi %scan3A, %scan3A_52 : i32
      %scan3A_54 = arith.constant 1 : i32
      scf.for %scan3A_69 = %scan3A to %scan3A_53 step %scan3A_54  : i32 {
        %mul3A_70 = arith.constant 2 : i32
        %mul3A_71 = arith.muli %scan3A_69, %mul3A_70 : i32
        %add3A_72 = arith.constant 0 : i32
        %add3A_73 = arith.addi %add3A_72, %mul3A_71 : i32
        %dma_wait3A_74 = arith.constant 0 : i32
        %dma_wait3A_75 = tpu.memref_slice %arg7[%add3A_73, %dma_wait3A_74] : memref<40x128xi32, #tpu.memory_space<vmem>> -> memref<1x128xi32, #tpu.memory_space<vmem>>
        %dma_wait3A_76 = tpu.memref_squeeze %dma_wait3A_75 : memref<1x128xi32, #tpu.memory_space<vmem>> -> memref<128xi32, #tpu.memory_space<vmem>>
        %dma_wait3A_77 = arith.constant 0 : i32
        %dma_wait3A_78 = arith.constant 0 : i32
        %dma_wait3A_79 = tpu.memref_slice %arg2[%dma_wait3A_77, %dma_wait3A_78] : memref<10112x128xbf16, #tpu.memory_space<hbm>> -> memref<10112x128xbf16, #tpu.memory_space<hbm>>
        tpu.wait_indirect_dma semaphore(%arg12 : memref<!tpu.dma_semaphore, #tpu.memory_space<semaphore_mem>>) src(%dma_wait3A_79 : memref<10112x128xbf16, #tpu.memory_space<hbm>>) dst(%arg9 : memref<128x128xbf16, #tpu.memory_space<vmem>>)
        %dma_start3A_80 = arith.constant 0 : i32
        %dma_start3A_81 = tpu.memref_slice %arg8[%add3A_73, %dma_start3A_80] : memref<40x128xi32, #tpu.memory_space<vmem>> -> memref<1x128xi32, #tpu.memory_space<vmem>>
        %dma_start3A_82 = tpu.memref_squeeze %dma_start3A_81 : memref<1x128xi32, #tpu.memory_space<vmem>> -> memref<128xi32, #tpu.memory_space<vmem>>
        %dma_start3A_83 = arith.constant 0 : i32
        %dma_start3A_84 = arith.constant 0 : i32
        %dma_start3A_85 = tpu.memref_slice %arg11[%dma_start3A_83, %dma_start3A_84] : memref<10112x128xbf16, #tpu.memory_space<vmem_shared>> -> memref<10112x128xbf16, #tpu.memory_space<vmem_shared>>
        tpu.enqueue_indirect_dma source(%arg9 : memref<128x128xbf16, #tpu.memory_space<vmem>>) target(%dma_start3A_85 : memref<10112x128xbf16, #tpu.memory_space<vmem_shared>>) offsets(%dma_start3A_82 : memref<128xi32, #tpu.memory_space<vmem>>) semaphore(%arg14 : memref<!tpu.dma_semaphore, #tpu.memory_space<semaphore_mem>>) {add = true}
        %add3A_86 = arith.constant 1 : i32
        %add3A_87 = arith.addi %add3A_73, %add3A_86 : i32
        %dma_wait3A_88 = arith.constant 0 : i32
        %dma_wait3A_89 = tpu.memref_slice %arg7[%add3A_87, %dma_wait3A_88] : memref<40x128xi32, #tpu.memory_space<vmem>> -> memref<1x128xi32, #tpu.memory_space<vmem>>
        %dma_wait3A_90 = tpu.memref_squeeze %dma_wait3A_89 : memref<1x128xi32, #tpu.memory_space<vmem>> -> memref<128xi32, #tpu.memory_space<vmem>>
        %dma_wait3A_91 = arith.constant 0 : i32
        %dma_wait3A_92 = arith.constant 0 : i32
        %dma_wait3A_93 = tpu.memref_slice %arg2[%dma_wait3A_91, %dma_wait3A_92] : memref<10112x128xbf16, #tpu.memory_space<hbm>> -> memref<10112x128xbf16, #tpu.memory_space<hbm>>
        tpu.wait_indirect_dma semaphore(%arg13 : memref<!tpu.dma_semaphore, #tpu.memory_space<semaphore_mem>>) src(%dma_wait3A_93 : memref<10112x128xbf16, #tpu.memory_space<hbm>>) dst(%arg10 : memref<128x128xbf16, #tpu.memory_space<vmem>>)
        %add3A_94 = arith.constant 1 : i32
        %add3A_95 = arith.addi %add3A_73, %add3A_94 : i32
        %dma_start3A_96 = arith.constant 0 : i32
        %dma_start3A_97 = tpu.memref_slice %arg8[%add3A_95, %dma_start3A_96] : memref<40x128xi32, #tpu.memory_space<vmem>> -> memref<1x128xi32, #tpu.memory_space<vmem>>
        %dma_start3A_98 = tpu.memref_squeeze %dma_start3A_97 : memref<1x128xi32, #tpu.memory_space<vmem>> -> memref<128xi32, #tpu.memory_space<vmem>>
        %dma_start3A_99 = arith.constant 0 : i32
        %dma_start3A_100 = arith.constant 0 : i32
        %dma_start3A_101 = tpu.memref_slice %arg11[%dma_start3A_99, %dma_start3A_100] : memref<10112x128xbf16, #tpu.memory_space<vmem_shared>> -> memref<10112x128xbf16, #tpu.memory_space<vmem_shared>>
        tpu.enqueue_indirect_dma source(%arg10 : memref<128x128xbf16, #tpu.memory_space<vmem>>) target(%dma_start3A_101 : memref<10112x128xbf16, #tpu.memory_space<vmem_shared>>) offsets(%dma_start3A_98 : memref<128xi32, #tpu.memory_space<vmem>>) semaphore(%arg15 : memref<!tpu.dma_semaphore, #tpu.memory_space<semaphore_mem>>) {add = true}
        %add3A_102 = arith.constant 2 : i32
        %add3A_103 = arith.addi %add3A_73, %add3A_102 : i32
        %lt3A = arith.constant 40 : i32
        %lt3A_104 = arith.cmpi slt, %add3A_103, %lt3A : i32
        %convert_element_type3A = arith.extui %lt3A_104 : i1 to i32
        %cond3A = arith.constant 0 : i32
        %cond3A_105 = arith.cmpi ne, %convert_element_type3A, %cond3A : i32
        scf.if %cond3A_105 {
          %dma_wait3A_106 = arith.constant 0 : i32
          %dma_wait3A_107 = tpu.memref_slice %arg8[%add3A_73, %dma_wait3A_106] : memref<40x128xi32, #tpu.memory_space<vmem>> -> memref<1x128xi32, #tpu.memory_space<vmem>>
          %dma_wait3A_108 = tpu.memref_squeeze %dma_wait3A_107 : memref<1x128xi32, #tpu.memory_space<vmem>> -> memref<128xi32, #tpu.memory_space<vmem>>
          %dma_wait3A_109 = arith.constant 0 : i32
          %dma_wait3A_110 = arith.constant 0 : i32
          %dma_wait3A_111 = tpu.memref_slice %arg11[%dma_wait3A_109, %dma_wait3A_110] : memref<10112x128xbf16, #tpu.memory_space<vmem_shared>> -> memref<10112x128xbf16, #tpu.memory_space<vmem_shared>>
          tpu.wait_indirect_dma semaphore(%arg14 : memref<!tpu.dma_semaphore, #tpu.memory_space<semaphore_mem>>) src(%arg9 : memref<128x128xbf16, #tpu.memory_space<vmem>>) dst(%dma_wait3A_111 : memref<10112x128xbf16, #tpu.memory_space<vmem_shared>>)
          %add3A_112 = arith.constant 2 : i32
          %add3A_113 = arith.addi %add3A_73, %add3A_112 : i32
          %dma_start3A_114 = arith.constant 0 : i32
          %dma_start3A_115 = tpu.memref_slice %arg7[%add3A_113, %dma_start3A_114] : memref<40x128xi32, #tpu.memory_space<vmem>> -> memref<1x128xi32, #tpu.memory_space<vmem>>
          %dma_start3A_116 = tpu.memref_squeeze %dma_start3A_115 : memref<1x128xi32, #tpu.memory_space<vmem>> -> memref<128xi32, #tpu.memory_space<vmem>>
          %dma_start3A_117 = arith.constant 0 : i32
          %dma_start3A_118 = arith.constant 0 : i32
          %dma_start3A_119 = tpu.memref_slice %arg2[%dma_start3A_117, %dma_start3A_118] : memref<10112x128xbf16, #tpu.memory_space<hbm>> -> memref<10112x128xbf16, #tpu.memory_space<hbm>>
          tpu.enqueue_indirect_dma source(%dma_start3A_119 : memref<10112x128xbf16, #tpu.memory_space<hbm>>) target(%arg9 : memref<128x128xbf16, #tpu.memory_space<vmem>>) offsets(%dma_start3A_116 : memref<128xi32, #tpu.memory_space<vmem>>) semaphore(%arg12 : memref<!tpu.dma_semaphore, #tpu.memory_space<semaphore_mem>>)
          %add3A_120 = arith.constant 1 : i32
          %add3A_121 = arith.addi %add3A_73, %add3A_120 : i32
          %dma_wait3A_122 = arith.constant 0 : i32
          %dma_wait3A_123 = tpu.memref_slice %arg8[%add3A_121, %dma_wait3A_122] : memref<40x128xi32, #tpu.memory_space<vmem>> -> memref<1x128xi32, #tpu.memory_space<vmem>>
          %dma_wait3A_124 = tpu.memref_squeeze %dma_wait3A_123 : memref<1x128xi32, #tpu.memory_space<vmem>> -> memref<128xi32, #tpu.memory_space<vmem>>
          %dma_wait3A_125 = arith.constant 0 : i32
          %dma_wait3A_126 = arith.constant 0 : i32
          %dma_wait3A_127 = tpu.memref_slice %arg11[%dma_wait3A_125, %dma_wait3A_126] : memref<10112x128xbf16, #tpu.memory_space<vmem_shared>> -> memref<10112x128xbf16, #tpu.memory_space<vmem_shared>>
          tpu.wait_indirect_dma semaphore(%arg15 : memref<!tpu.dma_semaphore, #tpu.memory_space<semaphore_mem>>) src(%arg10 : memref<128x128xbf16, #tpu.memory_space<vmem>>) dst(%dma_wait3A_127 : memref<10112x128xbf16, #tpu.memory_space<vmem_shared>>)
          %add3A_128 = arith.constant 3 : i32
          %add3A_129 = arith.addi %add3A_73, %add3A_128 : i32
          %dma_start3A_130 = arith.constant 0 : i32
          %dma_start3A_131 = tpu.memref_slice %arg7[%add3A_129, %dma_start3A_130] : memref<40x128xi32, #tpu.memory_space<vmem>> -> memref<1x128xi32, #tpu.memory_space<vmem>>
          %dma_start3A_132 = tpu.memref_squeeze %dma_start3A_131 : memref<1x128xi32, #tpu.memory_space<vmem>> -> memref<128xi32, #tpu.memory_space<vmem>>
          %dma_start3A_133 = arith.constant 0 : i32
          %dma_start3A_134 = arith.constant 0 : i32
          %dma_start3A_135 = tpu.memref_slice %arg2[%dma_start3A_133, %dma_start3A_134] : memref<10112x128xbf16, #tpu.memory_space<hbm>> -> memref<10112x128xbf16, #tpu.memory_space<hbm>>
          tpu.enqueue_indirect_dma source(%dma_start3A_135 : memref<10112x128xbf16, #tpu.memory_space<hbm>>) target(%arg10 : memref<128x128xbf16, #tpu.memory_space<vmem>>) offsets(%dma_start3A_132 : memref<128xi32, #tpu.memory_space<vmem>>) semaphore(%arg13 : memref<!tpu.dma_semaphore, #tpu.memory_space<semaphore_mem>>)
        } else {
        }
      }
      %scan3A_55 = arith.constant 20 : i32
      %dma_wait3A = arith.constant 38 : i32
      %dma_wait3A_56 = arith.constant 0 : i32
      %dma_wait3A_57 = tpu.memref_slice %arg8[%dma_wait3A, %dma_wait3A_56] : memref<40x128xi32, #tpu.memory_space<vmem>> -> memref<1x128xi32, #tpu.memory_space<vmem>>
      %dma_wait3A_58 = tpu.memref_squeeze %dma_wait3A_57 : memref<1x128xi32, #tpu.memory_space<vmem>> -> memref<128xi32, #tpu.memory_space<vmem>>
      %dma_wait3A_59 = arith.constant 0 : i32
      %dma_wait3A_60 = arith.constant 0 : i32
      %dma_wait3A_61 = tpu.memref_slice %arg11[%dma_wait3A_59, %dma_wait3A_60] : memref<10112x128xbf16, #tpu.memory_space<vmem_shared>> -> memref<10112x128xbf16, #tpu.memory_space<vmem_shared>>
      tpu.wait_indirect_dma semaphore(%arg14 : memref<!tpu.dma_semaphore, #tpu.memory_space<semaphore_mem>>) src(%arg9 : memref<128x128xbf16, #tpu.memory_space<vmem>>) dst(%dma_wait3A_61 : memref<10112x128xbf16, #tpu.memory_space<vmem_shared>>)
      %dma_wait3A_62 = arith.constant 39 : i32
      %dma_wait3A_63 = arith.constant 0 : i32
      %dma_wait3A_64 = tpu.memref_slice %arg8[%dma_wait3A_62, %dma_wait3A_63] : memref<40x128xi32, #tpu.memory_space<vmem>> -> memref<1x128xi32, #tpu.memory_space<vmem>>
      %dma_wait3A_65 = tpu.memref_squeeze %dma_wait3A_64 : memref<1x128xi32, #tpu.memory_space<vmem>> -> memref<128xi32, #tpu.memory_space<vmem>>
      %dma_wait3A_66 = arith.constant 0 : i32
      %dma_wait3A_67 = arith.constant 0 : i32
      %dma_wait3A_68 = tpu.memref_slice %arg11[%dma_wait3A_66, %dma_wait3A_67] : memref<10112x128xbf16, #tpu.memory_space<vmem_shared>> -> memref<10112x128xbf16, #tpu.memory_space<vmem_shared>>
      tpu.wait_indirect_dma semaphore(%arg15 : memref<!tpu.dma_semaphore, #tpu.memory_space<semaphore_mem>>) src(%arg10 : memref<128x128xbf16, #tpu.memory_space<vmem>>) dst(%dma_wait3A_68 : memref<10112x128xbf16, #tpu.memory_space<vmem_shared>>)
    }
    %barrier3A_28 = arith.constant 0 : index
    tpu.barrier barrier_id(%barrier3A_28)
    %mul3A_29 = arith.constant 632 : i32
    %mul3A_30 = arith.muli %arg1, %mul3A_29 : i32
    %mul3A_31 = arith.constant 632 : i32
    %mul3A_32 = arith.muli %arg1, %mul3A_31 : i32
    "tpu.region"() ({
      %run_scoped3A = tpu.sem_alloc : memref<!tpu.dma_semaphore, #tpu.memory_space<semaphore_mem>>
      %dma_start3A = arith.constant 0 : i32
      %dma_start3A_33 = tpu.memref_slice %arg6[%arg0, %mul3A_32, %dma_start3A] : memref<2x10112x128xbf16, #tpu.memory_space<hbm>> -> memref<1x632x128xbf16, #tpu.memory_space<hbm>>
      %dma_start3A_34 = tpu.memref_squeeze %dma_start3A_33 : memref<1x632x128xbf16, #tpu.memory_space<hbm>> -> memref<632x128xbf16, #tpu.memory_space<hbm>>
      %dma_start3A_35 = arith.constant 0 : i32
      %dma_start3A_36 = tpu.memref_slice %arg11[%mul3A_30, %dma_start3A_35] : memref<10112x128xbf16, #tpu.memory_space<vmem_shared>> -> memref<632x128xbf16, #tpu.memory_space<vmem_shared>>
      tpu.enqueue_dma source(%dma_start3A_36 : memref<632x128xbf16, #tpu.memory_space<vmem_shared>>) target(%dma_start3A_34 : memref<632x128xbf16, #tpu.memory_space<hbm>>) target_semaphore(%run_scoped3A : memref<!tpu.dma_semaphore, #tpu.memory_space<semaphore_mem>>)
      %dma_wait3A = arith.constant 0 : i32
      %dma_wait3A_37 = tpu.memref_slice %arg6[%arg0, %mul3A_32, %dma_wait3A] : memref<2x10112x128xbf16, #tpu.memory_space<hbm>> -> memref<1x632x128xbf16, #tpu.memory_space<hbm>>
      %dma_wait3A_38 = tpu.memref_squeeze %dma_wait3A_37 : memref<1x632x128xbf16, #tpu.memory_space<hbm>> -> memref<632x128xbf16, #tpu.memory_space<hbm>>
      %dma_wait3A_39 = arith.constant 0 : i32
      %dma_wait3A_40 = tpu.memref_slice %arg11[%mul3A_30, %dma_wait3A_39] : memref<10112x128xbf16, #tpu.memory_space<vmem_shared>> -> memref<632x128xbf16, #tpu.memory_space<vmem_shared>>
      tpu.wait_dma2 semaphore(%run_scoped3A : memref<!tpu.dma_semaphore, #tpu.memory_space<semaphore_mem>>) src(%dma_wait3A_40 : memref<632x128xbf16, #tpu.memory_space<vmem_shared>>) dst(%dma_wait3A_38 : memref<632x128xbf16, #tpu.memory_space<hbm>>)
      tpu.yield
    }) : () -> ()
    return
  }
}

#map = affine_map<(d0, d1) -> (0, 0)>
#map1 = affine_map<(d0, d1) -> (0, 0, 0)>
module attributes {stable_mosaic.version = 14 : i64} {
  func.func @deg_kernel(%arg0: i32, %arg1: i32, %arg2: memref<2560x128xi32, #tpu.memory_space<hbm>>, %arg3: memref<128x16xf32, #tpu.memory_space<hbm>>, %arg4: memref<10112x16xf32, #tpu.memory_space<hbm>>, %arg5: memref<2x10112x16xf32, #tpu.memory_space<hbm>>, %arg6: memref<80x128xi32, #tpu.memory_space<vmem>>, %arg7: memref<128x16xf32, #tpu.memory_space<vmem>>, %arg8: memref<10112x16xf32, #tpu.memory_space<vmem_shared>>) attributes {dimension_semantics = [#tpu.dimension_semantics<core_parallel>, #tpu.dimension_semantics<subcore_parallel>], iteration_bounds = array<i64: 2, 16>, scalar_prefetch = 0 : i64, scratch_operands = 3 : i64, tpu.core_type = #tpu.core_type<sc_vector_subcore>, window_params = [{transform_indices = #map}, {transform_indices = #map}, {transform_indices = #map}, {transform_indices = #map1}]} {
    %mul3A = arith.constant 16 : i32
    %mul3A_0 = arith.muli %arg0, %mul3A : i32
    %add3A = arith.addi %mul3A_0, %arg1 : i32
    "tpu.region"() ({
      %run_scoped3A = tpu.sem_alloc : memref<!tpu.dma_semaphore, #tpu.memory_space<semaphore_mem>>
      tpu.enqueue_dma source(%arg3 : memref<128x16xf32, #tpu.memory_space<hbm>>) target(%arg7 : memref<128x16xf32, #tpu.memory_space<vmem>>) target_semaphore(%run_scoped3A : memref<!tpu.dma_semaphore, #tpu.memory_space<semaphore_mem>>)
      tpu.wait_dma2 semaphore(%run_scoped3A : memref<!tpu.dma_semaphore, #tpu.memory_space<semaphore_mem>>) src(%arg3 : memref<128x16xf32, #tpu.memory_space<hbm>>) dst(%arg7 : memref<128x16xf32, #tpu.memory_space<vmem>>)
      tpu.yield
    }) : () -> ()
    %mul3A_1 = arith.constant 632 : i32
    %mul3A_2 = arith.muli %arg1, %mul3A_1 : i32
    %mul3A_3 = arith.constant 632 : i32
    %mul3A_4 = arith.muli %arg1, %mul3A_3 : i32
    "tpu.region"() ({
      %run_scoped3A = tpu.sem_alloc : memref<!tpu.dma_semaphore, #tpu.memory_space<semaphore_mem>>
      %dma_start3A = arith.constant 0 : i32
      %dma_start3A_16 = tpu.memref_slice %arg8[%mul3A_4, %dma_start3A] : memref<10112x16xf32, #tpu.memory_space<vmem_shared>> -> memref<632x16xf32, #tpu.memory_space<vmem_shared>>
      %dma_start3A_17 = arith.constant 0 : i32
      %dma_start3A_18 = tpu.memref_slice %arg4[%mul3A_2, %dma_start3A_17] : memref<10112x16xf32, #tpu.memory_space<hbm>> -> memref<632x16xf32, #tpu.memory_space<hbm>>
      tpu.enqueue_dma source(%dma_start3A_18 : memref<632x16xf32, #tpu.memory_space<hbm>>) target(%dma_start3A_16 : memref<632x16xf32, #tpu.memory_space<vmem_shared>>) target_semaphore(%run_scoped3A : memref<!tpu.dma_semaphore, #tpu.memory_space<semaphore_mem>>)
      %dma_wait3A = arith.constant 0 : i32
      %dma_wait3A_19 = tpu.memref_slice %arg8[%mul3A_4, %dma_wait3A] : memref<10112x16xf32, #tpu.memory_space<vmem_shared>> -> memref<632x16xf32, #tpu.memory_space<vmem_shared>>
      %dma_wait3A_20 = arith.constant 0 : i32
      %dma_wait3A_21 = tpu.memref_slice %arg4[%mul3A_2, %dma_wait3A_20] : memref<10112x16xf32, #tpu.memory_space<hbm>> -> memref<632x16xf32, #tpu.memory_space<hbm>>
      tpu.wait_dma2 semaphore(%run_scoped3A : memref<!tpu.dma_semaphore, #tpu.memory_space<semaphore_mem>>) src(%dma_wait3A_21 : memref<632x16xf32, #tpu.memory_space<hbm>>) dst(%dma_wait3A_19 : memref<632x16xf32, #tpu.memory_space<vmem_shared>>)
      tpu.yield
    }) : () -> ()
    %mul3A_5 = arith.constant 80 : i32
    %mul3A_6 = arith.muli %add3A, %mul3A_5 : i32
    "tpu.region"() ({
      %run_scoped3A = tpu.sem_alloc : memref<!tpu.dma_semaphore, #tpu.memory_space<semaphore_mem>>
      %dma_start3A = arith.constant 0 : i32
      %dma_start3A_16 = tpu.memref_slice %arg2[%mul3A_6, %dma_start3A] : memref<2560x128xi32, #tpu.memory_space<hbm>> -> memref<80x128xi32, #tpu.memory_space<hbm>>
      %dma_start3A_17 = arith.constant 0 : i32
      %dma_start3A_18 = tpu.memref_slice %arg2[%mul3A_6, %dma_start3A_17] : memref<2560x128xi32, #tpu.memory_space<hbm>> -> memref<80x128xi32, #tpu.memory_space<hbm>>
      tpu.enqueue_dma source(%dma_start3A_18 : memref<80x128xi32, #tpu.memory_space<hbm>>) target(%arg6 : memref<80x128xi32, #tpu.memory_space<vmem>>) target_semaphore(%run_scoped3A : memref<!tpu.dma_semaphore, #tpu.memory_space<semaphore_mem>>)
      %dma_wait3A = arith.constant 0 : i32
      %dma_wait3A_19 = tpu.memref_slice %arg2[%mul3A_6, %dma_wait3A] : memref<2560x128xi32, #tpu.memory_space<hbm>> -> memref<80x128xi32, #tpu.memory_space<hbm>>
      %dma_wait3A_20 = arith.constant 0 : i32
      %dma_wait3A_21 = tpu.memref_slice %arg2[%mul3A_6, %dma_wait3A_20] : memref<2560x128xi32, #tpu.memory_space<hbm>> -> memref<80x128xi32, #tpu.memory_space<hbm>>
      tpu.wait_dma2 semaphore(%run_scoped3A : memref<!tpu.dma_semaphore, #tpu.memory_space<semaphore_mem>>) src(%dma_wait3A_21 : memref<80x128xi32, #tpu.memory_space<hbm>>) dst(%arg6 : memref<80x128xi32, #tpu.memory_space<vmem>>)
      tpu.yield
    }) : () -> ()
    %barrier3A = arith.constant 0 : index
    tpu.barrier barrier_id(%barrier3A)
    %scan3A = arith.constant 0 : i32
    %scan3A_7 = arith.constant 80 : i32
    %scan3A_8 = arith.addi %scan3A, %scan3A_7 : i32
    %scan3A_9 = arith.constant 1 : i32
    scf.for %scan3A_16 = %scan3A to %scan3A_8 step %scan3A_9  : i32 {
      %mul3A_17 = arith.constant 1 : i32
      %mul3A_18 = arith.muli %scan3A_16, %mul3A_17 : i32
      %add3A_19 = arith.constant 0 : i32
      %add3A_20 = arith.addi %add3A_19, %mul3A_18 : i32
      "tpu.region"() ({
        %run_scoped3A = tpu.sem_alloc : memref<!tpu.dma_semaphore, #tpu.memory_space<semaphore_mem>>
        %dma_start3A = arith.constant 0 : i32
        %dma_start3A_21 = tpu.memref_slice %arg6[%add3A_20, %dma_start3A] : memref<80x128xi32, #tpu.memory_space<vmem>> -> memref<1x128xi32, #tpu.memory_space<vmem>>
        %dma_start3A_22 = tpu.memref_squeeze %dma_start3A_21 : memref<1x128xi32, #tpu.memory_space<vmem>> -> memref<128xi32, #tpu.memory_space<vmem>>
        %dma_start3A_23 = arith.constant 0 : i32
        %dma_start3A_24 = arith.constant 0 : i32
        %dma_start3A_25 = tpu.memref_slice %arg8[%dma_start3A_23, %dma_start3A_24] : memref<10112x16xf32, #tpu.memory_space<vmem_shared>> -> memref<10112x16xf32, #tpu.memory_space<vmem_shared>>
        tpu.enqueue_indirect_dma source(%arg7 : memref<128x16xf32, #tpu.memory_space<vmem>>) target(%dma_start3A_25 : memref<10112x16xf32, #tpu.memory_space<vmem_shared>>) offsets(%dma_start3A_22 : memref<128xi32, #tpu.memory_space<vmem>>) semaphore(%run_scoped3A : memref<!tpu.dma_semaphore, #tpu.memory_space<semaphore_mem>>) {add = true}
        %dma_wait3A = arith.constant 0 : i32
        %dma_wait3A_26 = tpu.memref_slice %arg6[%add3A_20, %dma_wait3A] : memref<80x128xi32, #tpu.memory_space<vmem>> -> memref<1x128xi32, #tpu.memory_space<vmem>>
        %dma_wait3A_27 = tpu.memref_squeeze %dma_wait3A_26 : memref<1x128xi32, #tpu.memory_space<vmem>> -> memref<128xi32, #tpu.memory_space<vmem>>
        %dma_wait3A_28 = arith.constant 0 : i32
        %dma_wait3A_29 = arith.constant 0 : i32
        %dma_wait3A_30 = tpu.memref_slice %arg8[%dma_wait3A_28, %dma_wait3A_29] : memref<10112x16xf32, #tpu.memory_space<vmem_shared>> -> memref<10112x16xf32, #tpu.memory_space<vmem_shared>>
        tpu.wait_indirect_dma semaphore(%run_scoped3A : memref<!tpu.dma_semaphore, #tpu.memory_space<semaphore_mem>>) src(%arg7 : memref<128x16xf32, #tpu.memory_space<vmem>>) dst(%dma_wait3A_30 : memref<10112x16xf32, #tpu.memory_space<vmem_shared>>)
        tpu.yield
      }) : () -> ()
    }
    %scan3A_10 = arith.constant 80 : i32
    %barrier3A_11 = arith.constant 0 : index
    tpu.barrier barrier_id(%barrier3A_11)
    %mul3A_12 = arith.constant 632 : i32
    %mul3A_13 = arith.muli %arg1, %mul3A_12 : i32
    %mul3A_14 = arith.constant 632 : i32
    %mul3A_15 = arith.muli %arg1, %mul3A_14 : i32
    "tpu.region"() ({
      %run_scoped3A = tpu.sem_alloc : memref<!tpu.dma_semaphore, #tpu.memory_space<semaphore_mem>>
      %dma_start3A = arith.constant 0 : i32
      %dma_start3A_16 = tpu.memref_slice %arg5[%arg0, %mul3A_15, %dma_start3A] : memref<2x10112x16xf32, #tpu.memory_space<hbm>> -> memref<1x632x16xf32, #tpu.memory_space<hbm>>
      %dma_start3A_17 = tpu.memref_squeeze %dma_start3A_16 : memref<1x632x16xf32, #tpu.memory_space<hbm>> -> memref<632x16xf32, #tpu.memory_space<hbm>>
      %dma_start3A_18 = arith.constant 0 : i32
      %dma_start3A_19 = tpu.memref_slice %arg8[%mul3A_13, %dma_start3A_18] : memref<10112x16xf32, #tpu.memory_space<vmem_shared>> -> memref<632x16xf32, #tpu.memory_space<vmem_shared>>
      tpu.enqueue_dma source(%dma_start3A_19 : memref<632x16xf32, #tpu.memory_space<vmem_shared>>) target(%dma_start3A_17 : memref<632x16xf32, #tpu.memory_space<hbm>>) target_semaphore(%run_scoped3A : memref<!tpu.dma_semaphore, #tpu.memory_space<semaphore_mem>>)
      %dma_wait3A = arith.constant 0 : i32
      %dma_wait3A_20 = tpu.memref_slice %arg5[%arg0, %mul3A_15, %dma_wait3A] : memref<2x10112x16xf32, #tpu.memory_space<hbm>> -> memref<1x632x16xf32, #tpu.memory_space<hbm>>
      %dma_wait3A_21 = tpu.memref_squeeze %dma_wait3A_20 : memref<1x632x16xf32, #tpu.memory_space<hbm>> -> memref<632x16xf32, #tpu.memory_space<hbm>>
      %dma_wait3A_22 = arith.constant 0 : i32
      %dma_wait3A_23 = tpu.memref_slice %arg8[%mul3A_13, %dma_wait3A_22] : memref<10112x16xf32, #tpu.memory_space<vmem_shared>> -> memref<632x16xf32, #tpu.memory_space<vmem_shared>>
      tpu.wait_dma2 semaphore(%run_scoped3A : memref<!tpu.dma_semaphore, #tpu.memory_space<semaphore_mem>>) src(%dma_wait3A_23 : memref<632x16xf32, #tpu.memory_space<vmem_shared>>) dst(%dma_wait3A_21 : memref<632x16xf32, #tpu.memory_space<hbm>>)
      tpu.yield
    }) : () -> ()
    return
  }
}

#map = affine_map<(d0, d1) -> (0, 0)>
#map1 = affine_map<(d0, d1) -> (0, 0, 0)>
module attributes {stable_mosaic.version = 14 : i64} {
  func.func @agg_kernel(%arg0: i32, %arg1: i32, %arg2: memref<10112x64xbf16, #tpu.memory_space<hbm>>, %arg3: memref<2560x128xi32, #tpu.memory_space<hbm>>, %arg4: memref<2560x128xi32, #tpu.memory_space<hbm>>, %arg5: memref<10112x64xbf16, #tpu.memory_space<hbm>>, %arg6: memref<2x10112x64xbf16, #tpu.memory_space<hbm>>, %arg7: memref<40x128xi32, #tpu.memory_space<vmem>>, %arg8: memref<40x128xi32, #tpu.memory_space<vmem>>, %arg9: memref<128x64xbf16, #tpu.memory_space<vmem>>, %arg10: memref<128x64xbf16, #tpu.memory_space<vmem>>, %arg11: memref<10112x64xbf16, #tpu.memory_space<vmem_shared>>, %arg12: memref<!tpu.dma_semaphore, #tpu.memory_space<semaphore_mem>>, %arg13: memref<!tpu.dma_semaphore, #tpu.memory_space<semaphore_mem>>, %arg14: memref<!tpu.dma_semaphore, #tpu.memory_space<semaphore_mem>>, %arg15: memref<!tpu.dma_semaphore, #tpu.memory_space<semaphore_mem>>) attributes {dimension_semantics = [#tpu.dimension_semantics<core_parallel>, #tpu.dimension_semantics<subcore_parallel>], iteration_bounds = array<i64: 2, 16>, scalar_prefetch = 0 : i64, scratch_operands = 9 : i64, tpu.core_type = #tpu.core_type<sc_vector_subcore>, window_params = [{transform_indices = #map}, {transform_indices = #map}, {transform_indices = #map}, {transform_indices = #map}, {transform_indices = #map1}]} {
    %mul3A = arith.constant 632 : i32
    %mul3A_0 = arith.muli %arg1, %mul3A : i32
    %mul3A_1 = arith.constant 632 : i32
    %mul3A_2 = arith.muli %arg1, %mul3A_1 : i32
    "tpu.region"() ({
      %run_scoped3A = tpu.sem_alloc : memref<!tpu.dma_semaphore, #tpu.memory_space<semaphore_mem>>
      %dma_start3A = arith.constant 0 : i32
      %dma_start3A_33 = tpu.memref_slice %arg11[%mul3A_2, %dma_start3A] : memref<10112x64xbf16, #tpu.memory_space<vmem_shared>> -> memref<632x64xbf16, #tpu.memory_space<vmem_shared>>
      %dma_start3A_34 = arith.constant 0 : i32
      %dma_start3A_35 = tpu.memref_slice %arg5[%mul3A_0, %dma_start3A_34] : memref<10112x64xbf16, #tpu.memory_space<hbm>> -> memref<632x64xbf16, #tpu.memory_space<hbm>>
      tpu.enqueue_dma source(%dma_start3A_35 : memref<632x64xbf16, #tpu.memory_space<hbm>>) target(%dma_start3A_33 : memref<632x64xbf16, #tpu.memory_space<vmem_shared>>) target_semaphore(%run_scoped3A : memref<!tpu.dma_semaphore, #tpu.memory_space<semaphore_mem>>)
      %dma_wait3A = arith.constant 0 : i32
      %dma_wait3A_36 = tpu.memref_slice %arg11[%mul3A_2, %dma_wait3A] : memref<10112x64xbf16, #tpu.memory_space<vmem_shared>> -> memref<632x64xbf16, #tpu.memory_space<vmem_shared>>
      %dma_wait3A_37 = arith.constant 0 : i32
      %dma_wait3A_38 = tpu.memref_slice %arg5[%mul3A_0, %dma_wait3A_37] : memref<10112x64xbf16, #tpu.memory_space<hbm>> -> memref<632x64xbf16, #tpu.memory_space<hbm>>
      tpu.wait_dma2 semaphore(%run_scoped3A : memref<!tpu.dma_semaphore, #tpu.memory_space<semaphore_mem>>) src(%dma_wait3A_38 : memref<632x64xbf16, #tpu.memory_space<hbm>>) dst(%dma_wait3A_36 : memref<632x64xbf16, #tpu.memory_space<vmem_shared>>)
      tpu.yield
    }) : () -> ()
    %barrier3A = arith.constant 0 : index
    tpu.barrier barrier_id(%barrier3A)
    %mul3A_3 = arith.constant 2 : i32
    %mul3A_4 = arith.muli %mul3A_3, %arg0 : i32
    %sub3A = arith.constant 3 : i32
    %sub3A_5 = arith.subi %sub3A, %mul3A_4 : i32
    %mul3A_6 = arith.constant 1920 : i32
    %mul3A_7 = arith.muli %arg0, %mul3A_6 : i32
    %mul3A_8 = arith.muli %arg1, %sub3A_5 : i32
    %mul3A_9 = arith.constant 40 : i32
    %mul3A_10 = arith.muli %mul3A_8, %mul3A_9 : i32
    %add3A = arith.addi %mul3A_7, %mul3A_10 : i32
    %sub3A_11 = arith.constant 0 : i32
    %sub3A_12 = arith.subi %sub3A_5, %sub3A_11 : i32
    %sub3A_13 = arith.constant 1 : i32
    %sub3A_14 = arith.constant 1 : i32
    %sub3A_15 = arith.subi %sub3A_13, %sub3A_14 : i32
    %add3A_16 = arith.addi %sub3A_12, %sub3A_15 : i32
    %div3A = arith.constant 1 : i32
    %div3A_17 = arith.divsi %add3A_16, %div3A : i32
    %while3A = arith.constant 1 : i32
    %while3A_18 = arith.constant 0 : i32
    %while3A_19 = arith.constant 0 : i32
    %while3A_20 = arith.subi %div3A_17, %while3A_19 : i32
    %while3A_21 = arith.addi %while3A_19, %while3A_20 : i32
    %while3A_22 = arith.constant 1 : i32
    %while3A_23 = arith.divsi %while3A_20, %while3A_22 : i32
    %while3A_24 = arith.muli %while3A_23, %while3A_22 : i32
    %while3A_25 = arith.addi %while3A_19, %while3A_24 : i32
    %while3A_26 = arith.constant 1 : i32
    scf.for %while3A_33 = %while3A_19 to %while3A_25 step %while3A_26  : i32 {
      %mul3A_34 = arith.muli %while3A_33, %while3A : i32
      %add3A_35 = arith.addi %while3A_18, %mul3A_34 : i32
      %mul3A_36 = arith.constant 40 : i32
      %mul3A_37 = arith.muli %add3A_35, %mul3A_36 : i32
      %add3A_38 = arith.addi %add3A, %mul3A_37 : i32
      "tpu.region"() ({
        %run_scoped3A = tpu.sem_alloc : memref<!tpu.dma_semaphore, #tpu.memory_space<semaphore_mem>>
        %dma_start3A_69 = arith.constant 0 : i32
        %dma_start3A_70 = tpu.memref_slice %arg3[%add3A_38, %dma_start3A_69] : memref<2560x128xi32, #tpu.memory_space<hbm>> -> memref<40x128xi32, #tpu.memory_space<hbm>>
        %dma_start3A_71 = arith.constant 0 : i32
        %dma_start3A_72 = tpu.memref_slice %arg3[%add3A_38, %dma_start3A_71] : memref<2560x128xi32, #tpu.memory_space<hbm>> -> memref<40x128xi32, #tpu.memory_space<hbm>>
        tpu.enqueue_dma source(%dma_start3A_72 : memref<40x128xi32, #tpu.memory_space<hbm>>) target(%arg7 : memref<40x128xi32, #tpu.memory_space<vmem>>) target_semaphore(%run_scoped3A : memref<!tpu.dma_semaphore, #tpu.memory_space<semaphore_mem>>)
        %dma_wait3A_73 = arith.constant 0 : i32
        %dma_wait3A_74 = tpu.memref_slice %arg3[%add3A_38, %dma_wait3A_73] : memref<2560x128xi32, #tpu.memory_space<hbm>> -> memref<40x128xi32, #tpu.memory_space<hbm>>
        %dma_wait3A_75 = arith.constant 0 : i32
        %dma_wait3A_76 = tpu.memref_slice %arg3[%add3A_38, %dma_wait3A_75] : memref<2560x128xi32, #tpu.memory_space<hbm>> -> memref<40x128xi32, #tpu.memory_space<hbm>>
        tpu.wait_dma2 semaphore(%run_scoped3A : memref<!tpu.dma_semaphore, #tpu.memory_space<semaphore_mem>>) src(%dma_wait3A_76 : memref<40x128xi32, #tpu.memory_space<hbm>>) dst(%arg7 : memref<40x128xi32, #tpu.memory_space<vmem>>)
        tpu.yield
      }) : () -> ()
      "tpu.region"() ({
        %run_scoped3A = tpu.sem_alloc : memref<!tpu.dma_semaphore, #tpu.memory_space<semaphore_mem>>
        %dma_start3A_69 = arith.constant 0 : i32
        %dma_start3A_70 = tpu.memref_slice %arg4[%add3A_38, %dma_start3A_69] : memref<2560x128xi32, #tpu.memory_space<hbm>> -> memref<40x128xi32, #tpu.memory_space<hbm>>
        %dma_start3A_71 = arith.constant 0 : i32
        %dma_start3A_72 = tpu.memref_slice %arg4[%add3A_38, %dma_start3A_71] : memref<2560x128xi32, #tpu.memory_space<hbm>> -> memref<40x128xi32, #tpu.memory_space<hbm>>
        tpu.enqueue_dma source(%dma_start3A_72 : memref<40x128xi32, #tpu.memory_space<hbm>>) target(%arg8 : memref<40x128xi32, #tpu.memory_space<vmem>>) target_semaphore(%run_scoped3A : memref<!tpu.dma_semaphore, #tpu.memory_space<semaphore_mem>>)
        %dma_wait3A_73 = arith.constant 0 : i32
        %dma_wait3A_74 = tpu.memref_slice %arg4[%add3A_38, %dma_wait3A_73] : memref<2560x128xi32, #tpu.memory_space<hbm>> -> memref<40x128xi32, #tpu.memory_space<hbm>>
        %dma_wait3A_75 = arith.constant 0 : i32
        %dma_wait3A_76 = tpu.memref_slice %arg4[%add3A_38, %dma_wait3A_75] : memref<2560x128xi32, #tpu.memory_space<hbm>> -> memref<40x128xi32, #tpu.memory_space<hbm>>
        tpu.wait_dma2 semaphore(%run_scoped3A : memref<!tpu.dma_semaphore, #tpu.memory_space<semaphore_mem>>) src(%dma_wait3A_76 : memref<40x128xi32, #tpu.memory_space<hbm>>) dst(%arg8 : memref<40x128xi32, #tpu.memory_space<vmem>>)
        tpu.yield
      }) : () -> ()
      %dma_start3A = arith.constant 0 : i32
      %dma_start3A_39 = arith.constant 0 : i32
      %dma_start3A_40 = tpu.memref_slice %arg7[%dma_start3A, %dma_start3A_39] : memref<40x128xi32, #tpu.memory_space<vmem>> -> memref<1x128xi32, #tpu.memory_space<vmem>>
      %dma_start3A_41 = tpu.memref_squeeze %dma_start3A_40 : memref<1x128xi32, #tpu.memory_space<vmem>> -> memref<128xi32, #tpu.memory_space<vmem>>
      %dma_start3A_42 = arith.constant 0 : i32
      %dma_start3A_43 = arith.constant 0 : i32
      %dma_start3A_44 = tpu.memref_slice %arg2[%dma_start3A_42, %dma_start3A_43] : memref<10112x64xbf16, #tpu.memory_space<hbm>> -> memref<10112x64xbf16, #tpu.memory_space<hbm>>
      tpu.enqueue_indirect_dma source(%dma_start3A_44 : memref<10112x64xbf16, #tpu.memory_space<hbm>>) target(%arg9 : memref<128x64xbf16, #tpu.memory_space<vmem>>) offsets(%dma_start3A_41 : memref<128xi32, #tpu.memory_space<vmem>>) semaphore(%arg12 : memref<!tpu.dma_semaphore, #tpu.memory_space<semaphore_mem>>)
      %dma_start3A_45 = arith.constant 1 : i32
      %dma_start3A_46 = arith.constant 0 : i32
      %dma_start3A_47 = tpu.memref_slice %arg7[%dma_start3A_45, %dma_start3A_46] : memref<40x128xi32, #tpu.memory_space<vmem>> -> memref<1x128xi32, #tpu.memory_space<vmem>>
      %dma_start3A_48 = tpu.memref_squeeze %dma_start3A_47 : memref<1x128xi32, #tpu.memory_space<vmem>> -> memref<128xi32, #tpu.memory_space<vmem>>
      %dma_start3A_49 = arith.constant 0 : i32
      %dma_start3A_50 = arith.constant 0 : i32
      %dma_start3A_51 = tpu.memref_slice %arg2[%dma_start3A_49, %dma_start3A_50] : memref<10112x64xbf16, #tpu.memory_space<hbm>> -> memref<10112x64xbf16, #tpu.memory_space<hbm>>
      tpu.enqueue_indirect_dma source(%dma_start3A_51 : memref<10112x64xbf16, #tpu.memory_space<hbm>>) target(%arg10 : memref<128x64xbf16, #tpu.memory_space<vmem>>) offsets(%dma_start3A_48 : memref<128xi32, #tpu.memory_space<vmem>>) semaphore(%arg13 : memref<!tpu.dma_semaphore, #tpu.memory_space<semaphore_mem>>)
      %scan3A = arith.constant 0 : i32
      %scan3A_52 = arith.constant 20 : i32
      %scan3A_53 = arith.addi %scan3A, %scan3A_52 : i32
      %scan3A_54 = arith.constant 1 : i32
      scf.for %scan3A_69 = %scan3A to %scan3A_53 step %scan3A_54  : i32 {
        %mul3A_70 = arith.constant 2 : i32
        %mul3A_71 = arith.muli %scan3A_69, %mul3A_70 : i32
        %add3A_72 = arith.constant 0 : i32
        %add3A_73 = arith.addi %add3A_72, %mul3A_71 : i32
        %dma_wait3A_74 = arith.constant 0 : i32
        %dma_wait3A_75 = tpu.memref_slice %arg7[%add3A_73, %dma_wait3A_74] : memref<40x128xi32, #tpu.memory_space<vmem>> -> memref<1x128xi32, #tpu.memory_space<vmem>>
        %dma_wait3A_76 = tpu.memref_squeeze %dma_wait3A_75 : memref<1x128xi32, #tpu.memory_space<vmem>> -> memref<128xi32, #tpu.memory_space<vmem>>
        %dma_wait3A_77 = arith.constant 0 : i32
        %dma_wait3A_78 = arith.constant 0 : i32
        %dma_wait3A_79 = tpu.memref_slice %arg2[%dma_wait3A_77, %dma_wait3A_78] : memref<10112x64xbf16, #tpu.memory_space<hbm>> -> memref<10112x64xbf16, #tpu.memory_space<hbm>>
        tpu.wait_indirect_dma semaphore(%arg12 : memref<!tpu.dma_semaphore, #tpu.memory_space<semaphore_mem>>) src(%dma_wait3A_79 : memref<10112x64xbf16, #tpu.memory_space<hbm>>) dst(%arg9 : memref<128x64xbf16, #tpu.memory_space<vmem>>)
        %dma_start3A_80 = arith.constant 0 : i32
        %dma_start3A_81 = tpu.memref_slice %arg8[%add3A_73, %dma_start3A_80] : memref<40x128xi32, #tpu.memory_space<vmem>> -> memref<1x128xi32, #tpu.memory_space<vmem>>
        %dma_start3A_82 = tpu.memref_squeeze %dma_start3A_81 : memref<1x128xi32, #tpu.memory_space<vmem>> -> memref<128xi32, #tpu.memory_space<vmem>>
        %dma_start3A_83 = arith.constant 0 : i32
        %dma_start3A_84 = arith.constant 0 : i32
        %dma_start3A_85 = tpu.memref_slice %arg11[%dma_start3A_83, %dma_start3A_84] : memref<10112x64xbf16, #tpu.memory_space<vmem_shared>> -> memref<10112x64xbf16, #tpu.memory_space<vmem_shared>>
        tpu.enqueue_indirect_dma source(%arg9 : memref<128x64xbf16, #tpu.memory_space<vmem>>) target(%dma_start3A_85 : memref<10112x64xbf16, #tpu.memory_space<vmem_shared>>) offsets(%dma_start3A_82 : memref<128xi32, #tpu.memory_space<vmem>>) semaphore(%arg14 : memref<!tpu.dma_semaphore, #tpu.memory_space<semaphore_mem>>) {add = true}
        %add3A_86 = arith.constant 1 : i32
        %add3A_87 = arith.addi %add3A_73, %add3A_86 : i32
        %dma_wait3A_88 = arith.constant 0 : i32
        %dma_wait3A_89 = tpu.memref_slice %arg7[%add3A_87, %dma_wait3A_88] : memref<40x128xi32, #tpu.memory_space<vmem>> -> memref<1x128xi32, #tpu.memory_space<vmem>>
        %dma_wait3A_90 = tpu.memref_squeeze %dma_wait3A_89 : memref<1x128xi32, #tpu.memory_space<vmem>> -> memref<128xi32, #tpu.memory_space<vmem>>
        %dma_wait3A_91 = arith.constant 0 : i32
        %dma_wait3A_92 = arith.constant 0 : i32
        %dma_wait3A_93 = tpu.memref_slice %arg2[%dma_wait3A_91, %dma_wait3A_92] : memref<10112x64xbf16, #tpu.memory_space<hbm>> -> memref<10112x64xbf16, #tpu.memory_space<hbm>>
        tpu.wait_indirect_dma semaphore(%arg13 : memref<!tpu.dma_semaphore, #tpu.memory_space<semaphore_mem>>) src(%dma_wait3A_93 : memref<10112x64xbf16, #tpu.memory_space<hbm>>) dst(%arg10 : memref<128x64xbf16, #tpu.memory_space<vmem>>)
        %add3A_94 = arith.constant 1 : i32
        %add3A_95 = arith.addi %add3A_73, %add3A_94 : i32
        %dma_start3A_96 = arith.constant 0 : i32
        %dma_start3A_97 = tpu.memref_slice %arg8[%add3A_95, %dma_start3A_96] : memref<40x128xi32, #tpu.memory_space<vmem>> -> memref<1x128xi32, #tpu.memory_space<vmem>>
        %dma_start3A_98 = tpu.memref_squeeze %dma_start3A_97 : memref<1x128xi32, #tpu.memory_space<vmem>> -> memref<128xi32, #tpu.memory_space<vmem>>
        %dma_start3A_99 = arith.constant 0 : i32
        %dma_start3A_100 = arith.constant 0 : i32
        %dma_start3A_101 = tpu.memref_slice %arg11[%dma_start3A_99, %dma_start3A_100] : memref<10112x64xbf16, #tpu.memory_space<vmem_shared>> -> memref<10112x64xbf16, #tpu.memory_space<vmem_shared>>
        tpu.enqueue_indirect_dma source(%arg10 : memref<128x64xbf16, #tpu.memory_space<vmem>>) target(%dma_start3A_101 : memref<10112x64xbf16, #tpu.memory_space<vmem_shared>>) offsets(%dma_start3A_98 : memref<128xi32, #tpu.memory_space<vmem>>) semaphore(%arg15 : memref<!tpu.dma_semaphore, #tpu.memory_space<semaphore_mem>>) {add = true}
        %add3A_102 = arith.constant 2 : i32
        %add3A_103 = arith.addi %add3A_73, %add3A_102 : i32
        %lt3A = arith.constant 40 : i32
        %lt3A_104 = arith.cmpi slt, %add3A_103, %lt3A : i32
        %convert_element_type3A = arith.extui %lt3A_104 : i1 to i32
        %cond3A = arith.constant 0 : i32
        %cond3A_105 = arith.cmpi ne, %convert_element_type3A, %cond3A : i32
        scf.if %cond3A_105 {
          %dma_wait3A_106 = arith.constant 0 : i32
          %dma_wait3A_107 = tpu.memref_slice %arg8[%add3A_73, %dma_wait3A_106] : memref<40x128xi32, #tpu.memory_space<vmem>> -> memref<1x128xi32, #tpu.memory_space<vmem>>
          %dma_wait3A_108 = tpu.memref_squeeze %dma_wait3A_107 : memref<1x128xi32, #tpu.memory_space<vmem>> -> memref<128xi32, #tpu.memory_space<vmem>>
          %dma_wait3A_109 = arith.constant 0 : i32
          %dma_wait3A_110 = arith.constant 0 : i32
          %dma_wait3A_111 = tpu.memref_slice %arg11[%dma_wait3A_109, %dma_wait3A_110] : memref<10112x64xbf16, #tpu.memory_space<vmem_shared>> -> memref<10112x64xbf16, #tpu.memory_space<vmem_shared>>
          tpu.wait_indirect_dma semaphore(%arg14 : memref<!tpu.dma_semaphore, #tpu.memory_space<semaphore_mem>>) src(%arg9 : memref<128x64xbf16, #tpu.memory_space<vmem>>) dst(%dma_wait3A_111 : memref<10112x64xbf16, #tpu.memory_space<vmem_shared>>)
          %add3A_112 = arith.constant 2 : i32
          %add3A_113 = arith.addi %add3A_73, %add3A_112 : i32
          %dma_start3A_114 = arith.constant 0 : i32
          %dma_start3A_115 = tpu.memref_slice %arg7[%add3A_113, %dma_start3A_114] : memref<40x128xi32, #tpu.memory_space<vmem>> -> memref<1x128xi32, #tpu.memory_space<vmem>>
          %dma_start3A_116 = tpu.memref_squeeze %dma_start3A_115 : memref<1x128xi32, #tpu.memory_space<vmem>> -> memref<128xi32, #tpu.memory_space<vmem>>
          %dma_start3A_117 = arith.constant 0 : i32
          %dma_start3A_118 = arith.constant 0 : i32
          %dma_start3A_119 = tpu.memref_slice %arg2[%dma_start3A_117, %dma_start3A_118] : memref<10112x64xbf16, #tpu.memory_space<hbm>> -> memref<10112x64xbf16, #tpu.memory_space<hbm>>
          tpu.enqueue_indirect_dma source(%dma_start3A_119 : memref<10112x64xbf16, #tpu.memory_space<hbm>>) target(%arg9 : memref<128x64xbf16, #tpu.memory_space<vmem>>) offsets(%dma_start3A_116 : memref<128xi32, #tpu.memory_space<vmem>>) semaphore(%arg12 : memref<!tpu.dma_semaphore, #tpu.memory_space<semaphore_mem>>)
          %add3A_120 = arith.constant 1 : i32
          %add3A_121 = arith.addi %add3A_73, %add3A_120 : i32
          %dma_wait3A_122 = arith.constant 0 : i32
          %dma_wait3A_123 = tpu.memref_slice %arg8[%add3A_121, %dma_wait3A_122] : memref<40x128xi32, #tpu.memory_space<vmem>> -> memref<1x128xi32, #tpu.memory_space<vmem>>
          %dma_wait3A_124 = tpu.memref_squeeze %dma_wait3A_123 : memref<1x128xi32, #tpu.memory_space<vmem>> -> memref<128xi32, #tpu.memory_space<vmem>>
          %dma_wait3A_125 = arith.constant 0 : i32
          %dma_wait3A_126 = arith.constant 0 : i32
          %dma_wait3A_127 = tpu.memref_slice %arg11[%dma_wait3A_125, %dma_wait3A_126] : memref<10112x64xbf16, #tpu.memory_space<vmem_shared>> -> memref<10112x64xbf16, #tpu.memory_space<vmem_shared>>
          tpu.wait_indirect_dma semaphore(%arg15 : memref<!tpu.dma_semaphore, #tpu.memory_space<semaphore_mem>>) src(%arg10 : memref<128x64xbf16, #tpu.memory_space<vmem>>) dst(%dma_wait3A_127 : memref<10112x64xbf16, #tpu.memory_space<vmem_shared>>)
          %add3A_128 = arith.constant 3 : i32
          %add3A_129 = arith.addi %add3A_73, %add3A_128 : i32
          %dma_start3A_130 = arith.constant 0 : i32
          %dma_start3A_131 = tpu.memref_slice %arg7[%add3A_129, %dma_start3A_130] : memref<40x128xi32, #tpu.memory_space<vmem>> -> memref<1x128xi32, #tpu.memory_space<vmem>>
          %dma_start3A_132 = tpu.memref_squeeze %dma_start3A_131 : memref<1x128xi32, #tpu.memory_space<vmem>> -> memref<128xi32, #tpu.memory_space<vmem>>
          %dma_start3A_133 = arith.constant 0 : i32
          %dma_start3A_134 = arith.constant 0 : i32
          %dma_start3A_135 = tpu.memref_slice %arg2[%dma_start3A_133, %dma_start3A_134] : memref<10112x64xbf16, #tpu.memory_space<hbm>> -> memref<10112x64xbf16, #tpu.memory_space<hbm>>
          tpu.enqueue_indirect_dma source(%dma_start3A_135 : memref<10112x64xbf16, #tpu.memory_space<hbm>>) target(%arg10 : memref<128x64xbf16, #tpu.memory_space<vmem>>) offsets(%dma_start3A_132 : memref<128xi32, #tpu.memory_space<vmem>>) semaphore(%arg13 : memref<!tpu.dma_semaphore, #tpu.memory_space<semaphore_mem>>)
        } else {
        }
      }
      %scan3A_55 = arith.constant 20 : i32
      %dma_wait3A = arith.constant 38 : i32
      %dma_wait3A_56 = arith.constant 0 : i32
      %dma_wait3A_57 = tpu.memref_slice %arg8[%dma_wait3A, %dma_wait3A_56] : memref<40x128xi32, #tpu.memory_space<vmem>> -> memref<1x128xi32, #tpu.memory_space<vmem>>
      %dma_wait3A_58 = tpu.memref_squeeze %dma_wait3A_57 : memref<1x128xi32, #tpu.memory_space<vmem>> -> memref<128xi32, #tpu.memory_space<vmem>>
      %dma_wait3A_59 = arith.constant 0 : i32
      %dma_wait3A_60 = arith.constant 0 : i32
      %dma_wait3A_61 = tpu.memref_slice %arg11[%dma_wait3A_59, %dma_wait3A_60] : memref<10112x64xbf16, #tpu.memory_space<vmem_shared>> -> memref<10112x64xbf16, #tpu.memory_space<vmem_shared>>
      tpu.wait_indirect_dma semaphore(%arg14 : memref<!tpu.dma_semaphore, #tpu.memory_space<semaphore_mem>>) src(%arg9 : memref<128x64xbf16, #tpu.memory_space<vmem>>) dst(%dma_wait3A_61 : memref<10112x64xbf16, #tpu.memory_space<vmem_shared>>)
      %dma_wait3A_62 = arith.constant 39 : i32
      %dma_wait3A_63 = arith.constant 0 : i32
      %dma_wait3A_64 = tpu.memref_slice %arg8[%dma_wait3A_62, %dma_wait3A_63] : memref<40x128xi32, #tpu.memory_space<vmem>> -> memref<1x128xi32, #tpu.memory_space<vmem>>
      %dma_wait3A_65 = tpu.memref_squeeze %dma_wait3A_64 : memref<1x128xi32, #tpu.memory_space<vmem>> -> memref<128xi32, #tpu.memory_space<vmem>>
      %dma_wait3A_66 = arith.constant 0 : i32
      %dma_wait3A_67 = arith.constant 0 : i32
      %dma_wait3A_68 = tpu.memref_slice %arg11[%dma_wait3A_66, %dma_wait3A_67] : memref<10112x64xbf16, #tpu.memory_space<vmem_shared>> -> memref<10112x64xbf16, #tpu.memory_space<vmem_shared>>
      tpu.wait_indirect_dma semaphore(%arg15 : memref<!tpu.dma_semaphore, #tpu.memory_space<semaphore_mem>>) src(%arg10 : memref<128x64xbf16, #tpu.memory_space<vmem>>) dst(%dma_wait3A_68 : memref<10112x64xbf16, #tpu.memory_space<vmem_shared>>)
    }
    %while3A_27 = arith.constant 1 : i32
    scf.for %while3A_33 = %while3A_25 to %while3A_21 step %while3A_27  : i32 {
      %mul3A_34 = arith.muli %while3A_33, %while3A : i32
      %add3A_35 = arith.addi %while3A_18, %mul3A_34 : i32
      %mul3A_36 = arith.constant 40 : i32
      %mul3A_37 = arith.muli %add3A_35, %mul3A_36 : i32
      %add3A_38 = arith.addi %add3A, %mul3A_37 : i32
      "tpu.region"() ({
        %run_scoped3A = tpu.sem_alloc : memref<!tpu.dma_semaphore, #tpu.memory_space<semaphore_mem>>
        %dma_start3A_69 = arith.constant 0 : i32
        %dma_start3A_70 = tpu.memref_slice %arg3[%add3A_38, %dma_start3A_69] : memref<2560x128xi32, #tpu.memory_space<hbm>> -> memref<40x128xi32, #tpu.memory_space<hbm>>
        %dma_start3A_71 = arith.constant 0 : i32
        %dma_start3A_72 = tpu.memref_slice %arg3[%add3A_38, %dma_start3A_71] : memref<2560x128xi32, #tpu.memory_space<hbm>> -> memref<40x128xi32, #tpu.memory_space<hbm>>
        tpu.enqueue_dma source(%dma_start3A_72 : memref<40x128xi32, #tpu.memory_space<hbm>>) target(%arg7 : memref<40x128xi32, #tpu.memory_space<vmem>>) target_semaphore(%run_scoped3A : memref<!tpu.dma_semaphore, #tpu.memory_space<semaphore_mem>>)
        %dma_wait3A_73 = arith.constant 0 : i32
        %dma_wait3A_74 = tpu.memref_slice %arg3[%add3A_38, %dma_wait3A_73] : memref<2560x128xi32, #tpu.memory_space<hbm>> -> memref<40x128xi32, #tpu.memory_space<hbm>>
        %dma_wait3A_75 = arith.constant 0 : i32
        %dma_wait3A_76 = tpu.memref_slice %arg3[%add3A_38, %dma_wait3A_75] : memref<2560x128xi32, #tpu.memory_space<hbm>> -> memref<40x128xi32, #tpu.memory_space<hbm>>
        tpu.wait_dma2 semaphore(%run_scoped3A : memref<!tpu.dma_semaphore, #tpu.memory_space<semaphore_mem>>) src(%dma_wait3A_76 : memref<40x128xi32, #tpu.memory_space<hbm>>) dst(%arg7 : memref<40x128xi32, #tpu.memory_space<vmem>>)
        tpu.yield
      }) : () -> ()
      "tpu.region"() ({
        %run_scoped3A = tpu.sem_alloc : memref<!tpu.dma_semaphore, #tpu.memory_space<semaphore_mem>>
        %dma_start3A_69 = arith.constant 0 : i32
        %dma_start3A_70 = tpu.memref_slice %arg4[%add3A_38, %dma_start3A_69] : memref<2560x128xi32, #tpu.memory_space<hbm>> -> memref<40x128xi32, #tpu.memory_space<hbm>>
        %dma_start3A_71 = arith.constant 0 : i32
        %dma_start3A_72 = tpu.memref_slice %arg4[%add3A_38, %dma_start3A_71] : memref<2560x128xi32, #tpu.memory_space<hbm>> -> memref<40x128xi32, #tpu.memory_space<hbm>>
        tpu.enqueue_dma source(%dma_start3A_72 : memref<40x128xi32, #tpu.memory_space<hbm>>) target(%arg8 : memref<40x128xi32, #tpu.memory_space<vmem>>) target_semaphore(%run_scoped3A : memref<!tpu.dma_semaphore, #tpu.memory_space<semaphore_mem>>)
        %dma_wait3A_73 = arith.constant 0 : i32
        %dma_wait3A_74 = tpu.memref_slice %arg4[%add3A_38, %dma_wait3A_73] : memref<2560x128xi32, #tpu.memory_space<hbm>> -> memref<40x128xi32, #tpu.memory_space<hbm>>
        %dma_wait3A_75 = arith.constant 0 : i32
        %dma_wait3A_76 = tpu.memref_slice %arg4[%add3A_38, %dma_wait3A_75] : memref<2560x128xi32, #tpu.memory_space<hbm>> -> memref<40x128xi32, #tpu.memory_space<hbm>>
        tpu.wait_dma2 semaphore(%run_scoped3A : memref<!tpu.dma_semaphore, #tpu.memory_space<semaphore_mem>>) src(%dma_wait3A_76 : memref<40x128xi32, #tpu.memory_space<hbm>>) dst(%arg8 : memref<40x128xi32, #tpu.memory_space<vmem>>)
        tpu.yield
      }) : () -> ()
      %dma_start3A = arith.constant 0 : i32
      %dma_start3A_39 = arith.constant 0 : i32
      %dma_start3A_40 = tpu.memref_slice %arg7[%dma_start3A, %dma_start3A_39] : memref<40x128xi32, #tpu.memory_space<vmem>> -> memref<1x128xi32, #tpu.memory_space<vmem>>
      %dma_start3A_41 = tpu.memref_squeeze %dma_start3A_40 : memref<1x128xi32, #tpu.memory_space<vmem>> -> memref<128xi32, #tpu.memory_space<vmem>>
      %dma_start3A_42 = arith.constant 0 : i32
      %dma_start3A_43 = arith.constant 0 : i32
      %dma_start3A_44 = tpu.memref_slice %arg2[%dma_start3A_42, %dma_start3A_43] : memref<10112x64xbf16, #tpu.memory_space<hbm>> -> memref<10112x64xbf16, #tpu.memory_space<hbm>>
      tpu.enqueue_indirect_dma source(%dma_start3A_44 : memref<10112x64xbf16, #tpu.memory_space<hbm>>) target(%arg9 : memref<128x64xbf16, #tpu.memory_space<vmem>>) offsets(%dma_start3A_41 : memref<128xi32, #tpu.memory_space<vmem>>) semaphore(%arg12 : memref<!tpu.dma_semaphore, #tpu.memory_space<semaphore_mem>>)
      %dma_start3A_45 = arith.constant 1 : i32
      %dma_start3A_46 = arith.constant 0 : i32
      %dma_start3A_47 = tpu.memref_slice %arg7[%dma_start3A_45, %dma_start3A_46] : memref<40x128xi32, #tpu.memory_space<vmem>> -> memref<1x128xi32, #tpu.memory_space<vmem>>
      %dma_start3A_48 = tpu.memref_squeeze %dma_start3A_47 : memref<1x128xi32, #tpu.memory_space<vmem>> -> memref<128xi32, #tpu.memory_space<vmem>>
      %dma_start3A_49 = arith.constant 0 : i32
      %dma_start3A_50 = arith.constant 0 : i32
      %dma_start3A_51 = tpu.memref_slice %arg2[%dma_start3A_49, %dma_start3A_50] : memref<10112x64xbf16, #tpu.memory_space<hbm>> -> memref<10112x64xbf16, #tpu.memory_space<hbm>>
      tpu.enqueue_indirect_dma source(%dma_start3A_51 : memref<10112x64xbf16, #tpu.memory_space<hbm>>) target(%arg10 : memref<128x64xbf16, #tpu.memory_space<vmem>>) offsets(%dma_start3A_48 : memref<128xi32, #tpu.memory_space<vmem>>) semaphore(%arg13 : memref<!tpu.dma_semaphore, #tpu.memory_space<semaphore_mem>>)
      %scan3A = arith.constant 0 : i32
      %scan3A_52 = arith.constant 20 : i32
      %scan3A_53 = arith.addi %scan3A, %scan3A_52 : i32
      %scan3A_54 = arith.constant 1 : i32
      scf.for %scan3A_69 = %scan3A to %scan3A_53 step %scan3A_54  : i32 {
        %mul3A_70 = arith.constant 2 : i32
        %mul3A_71 = arith.muli %scan3A_69, %mul3A_70 : i32
        %add3A_72 = arith.constant 0 : i32
        %add3A_73 = arith.addi %add3A_72, %mul3A_71 : i32
        %dma_wait3A_74 = arith.constant 0 : i32
        %dma_wait3A_75 = tpu.memref_slice %arg7[%add3A_73, %dma_wait3A_74] : memref<40x128xi32, #tpu.memory_space<vmem>> -> memref<1x128xi32, #tpu.memory_space<vmem>>
        %dma_wait3A_76 = tpu.memref_squeeze %dma_wait3A_75 : memref<1x128xi32, #tpu.memory_space<vmem>> -> memref<128xi32, #tpu.memory_space<vmem>>
        %dma_wait3A_77 = arith.constant 0 : i32
        %dma_wait3A_78 = arith.constant 0 : i32
        %dma_wait3A_79 = tpu.memref_slice %arg2[%dma_wait3A_77, %dma_wait3A_78] : memref<10112x64xbf16, #tpu.memory_space<hbm>> -> memref<10112x64xbf16, #tpu.memory_space<hbm>>
        tpu.wait_indirect_dma semaphore(%arg12 : memref<!tpu.dma_semaphore, #tpu.memory_space<semaphore_mem>>) src(%dma_wait3A_79 : memref<10112x64xbf16, #tpu.memory_space<hbm>>) dst(%arg9 : memref<128x64xbf16, #tpu.memory_space<vmem>>)
        %dma_start3A_80 = arith.constant 0 : i32
        %dma_start3A_81 = tpu.memref_slice %arg8[%add3A_73, %dma_start3A_80] : memref<40x128xi32, #tpu.memory_space<vmem>> -> memref<1x128xi32, #tpu.memory_space<vmem>>
        %dma_start3A_82 = tpu.memref_squeeze %dma_start3A_81 : memref<1x128xi32, #tpu.memory_space<vmem>> -> memref<128xi32, #tpu.memory_space<vmem>>
        %dma_start3A_83 = arith.constant 0 : i32
        %dma_start3A_84 = arith.constant 0 : i32
        %dma_start3A_85 = tpu.memref_slice %arg11[%dma_start3A_83, %dma_start3A_84] : memref<10112x64xbf16, #tpu.memory_space<vmem_shared>> -> memref<10112x64xbf16, #tpu.memory_space<vmem_shared>>
        tpu.enqueue_indirect_dma source(%arg9 : memref<128x64xbf16, #tpu.memory_space<vmem>>) target(%dma_start3A_85 : memref<10112x64xbf16, #tpu.memory_space<vmem_shared>>) offsets(%dma_start3A_82 : memref<128xi32, #tpu.memory_space<vmem>>) semaphore(%arg14 : memref<!tpu.dma_semaphore, #tpu.memory_space<semaphore_mem>>) {add = true}
        %add3A_86 = arith.constant 1 : i32
        %add3A_87 = arith.addi %add3A_73, %add3A_86 : i32
        %dma_wait3A_88 = arith.constant 0 : i32
        %dma_wait3A_89 = tpu.memref_slice %arg7[%add3A_87, %dma_wait3A_88] : memref<40x128xi32, #tpu.memory_space<vmem>> -> memref<1x128xi32, #tpu.memory_space<vmem>>
        %dma_wait3A_90 = tpu.memref_squeeze %dma_wait3A_89 : memref<1x128xi32, #tpu.memory_space<vmem>> -> memref<128xi32, #tpu.memory_space<vmem>>
        %dma_wait3A_91 = arith.constant 0 : i32
        %dma_wait3A_92 = arith.constant 0 : i32
        %dma_wait3A_93 = tpu.memref_slice %arg2[%dma_wait3A_91, %dma_wait3A_92] : memref<10112x64xbf16, #tpu.memory_space<hbm>> -> memref<10112x64xbf16, #tpu.memory_space<hbm>>
        tpu.wait_indirect_dma semaphore(%arg13 : memref<!tpu.dma_semaphore, #tpu.memory_space<semaphore_mem>>) src(%dma_wait3A_93 : memref<10112x64xbf16, #tpu.memory_space<hbm>>) dst(%arg10 : memref<128x64xbf16, #tpu.memory_space<vmem>>)
        %add3A_94 = arith.constant 1 : i32
        %add3A_95 = arith.addi %add3A_73, %add3A_94 : i32
        %dma_start3A_96 = arith.constant 0 : i32
        %dma_start3A_97 = tpu.memref_slice %arg8[%add3A_95, %dma_start3A_96] : memref<40x128xi32, #tpu.memory_space<vmem>> -> memref<1x128xi32, #tpu.memory_space<vmem>>
        %dma_start3A_98 = tpu.memref_squeeze %dma_start3A_97 : memref<1x128xi32, #tpu.memory_space<vmem>> -> memref<128xi32, #tpu.memory_space<vmem>>
        %dma_start3A_99 = arith.constant 0 : i32
        %dma_start3A_100 = arith.constant 0 : i32
        %dma_start3A_101 = tpu.memref_slice %arg11[%dma_start3A_99, %dma_start3A_100] : memref<10112x64xbf16, #tpu.memory_space<vmem_shared>> -> memref<10112x64xbf16, #tpu.memory_space<vmem_shared>>
        tpu.enqueue_indirect_dma source(%arg10 : memref<128x64xbf16, #tpu.memory_space<vmem>>) target(%dma_start3A_101 : memref<10112x64xbf16, #tpu.memory_space<vmem_shared>>) offsets(%dma_start3A_98 : memref<128xi32, #tpu.memory_space<vmem>>) semaphore(%arg15 : memref<!tpu.dma_semaphore, #tpu.memory_space<semaphore_mem>>) {add = true}
        %add3A_102 = arith.constant 2 : i32
        %add3A_103 = arith.addi %add3A_73, %add3A_102 : i32
        %lt3A = arith.constant 40 : i32
        %lt3A_104 = arith.cmpi slt, %add3A_103, %lt3A : i32
        %convert_element_type3A = arith.extui %lt3A_104 : i1 to i32
        %cond3A = arith.constant 0 : i32
        %cond3A_105 = arith.cmpi ne, %convert_element_type3A, %cond3A : i32
        scf.if %cond3A_105 {
          %dma_wait3A_106 = arith.constant 0 : i32
          %dma_wait3A_107 = tpu.memref_slice %arg8[%add3A_73, %dma_wait3A_106] : memref<40x128xi32, #tpu.memory_space<vmem>> -> memref<1x128xi32, #tpu.memory_space<vmem>>
          %dma_wait3A_108 = tpu.memref_squeeze %dma_wait3A_107 : memref<1x128xi32, #tpu.memory_space<vmem>> -> memref<128xi32, #tpu.memory_space<vmem>>
          %dma_wait3A_109 = arith.constant 0 : i32
          %dma_wait3A_110 = arith.constant 0 : i32
          %dma_wait3A_111 = tpu.memref_slice %arg11[%dma_wait3A_109, %dma_wait3A_110] : memref<10112x64xbf16, #tpu.memory_space<vmem_shared>> -> memref<10112x64xbf16, #tpu.memory_space<vmem_shared>>
          tpu.wait_indirect_dma semaphore(%arg14 : memref<!tpu.dma_semaphore, #tpu.memory_space<semaphore_mem>>) src(%arg9 : memref<128x64xbf16, #tpu.memory_space<vmem>>) dst(%dma_wait3A_111 : memref<10112x64xbf16, #tpu.memory_space<vmem_shared>>)
          %add3A_112 = arith.constant 2 : i32
          %add3A_113 = arith.addi %add3A_73, %add3A_112 : i32
          %dma_start3A_114 = arith.constant 0 : i32
          %dma_start3A_115 = tpu.memref_slice %arg7[%add3A_113, %dma_start3A_114] : memref<40x128xi32, #tpu.memory_space<vmem>> -> memref<1x128xi32, #tpu.memory_space<vmem>>
          %dma_start3A_116 = tpu.memref_squeeze %dma_start3A_115 : memref<1x128xi32, #tpu.memory_space<vmem>> -> memref<128xi32, #tpu.memory_space<vmem>>
          %dma_start3A_117 = arith.constant 0 : i32
          %dma_start3A_118 = arith.constant 0 : i32
          %dma_start3A_119 = tpu.memref_slice %arg2[%dma_start3A_117, %dma_start3A_118] : memref<10112x64xbf16, #tpu.memory_space<hbm>> -> memref<10112x64xbf16, #tpu.memory_space<hbm>>
          tpu.enqueue_indirect_dma source(%dma_start3A_119 : memref<10112x64xbf16, #tpu.memory_space<hbm>>) target(%arg9 : memref<128x64xbf16, #tpu.memory_space<vmem>>) offsets(%dma_start3A_116 : memref<128xi32, #tpu.memory_space<vmem>>) semaphore(%arg12 : memref<!tpu.dma_semaphore, #tpu.memory_space<semaphore_mem>>)
          %add3A_120 = arith.constant 1 : i32
          %add3A_121 = arith.addi %add3A_73, %add3A_120 : i32
          %dma_wait3A_122 = arith.constant 0 : i32
          %dma_wait3A_123 = tpu.memref_slice %arg8[%add3A_121, %dma_wait3A_122] : memref<40x128xi32, #tpu.memory_space<vmem>> -> memref<1x128xi32, #tpu.memory_space<vmem>>
          %dma_wait3A_124 = tpu.memref_squeeze %dma_wait3A_123 : memref<1x128xi32, #tpu.memory_space<vmem>> -> memref<128xi32, #tpu.memory_space<vmem>>
          %dma_wait3A_125 = arith.constant 0 : i32
          %dma_wait3A_126 = arith.constant 0 : i32
          %dma_wait3A_127 = tpu.memref_slice %arg11[%dma_wait3A_125, %dma_wait3A_126] : memref<10112x64xbf16, #tpu.memory_space<vmem_shared>> -> memref<10112x64xbf16, #tpu.memory_space<vmem_shared>>
          tpu.wait_indirect_dma semaphore(%arg15 : memref<!tpu.dma_semaphore, #tpu.memory_space<semaphore_mem>>) src(%arg10 : memref<128x64xbf16, #tpu.memory_space<vmem>>) dst(%dma_wait3A_127 : memref<10112x64xbf16, #tpu.memory_space<vmem_shared>>)
          %add3A_128 = arith.constant 3 : i32
          %add3A_129 = arith.addi %add3A_73, %add3A_128 : i32
          %dma_start3A_130 = arith.constant 0 : i32
          %dma_start3A_131 = tpu.memref_slice %arg7[%add3A_129, %dma_start3A_130] : memref<40x128xi32, #tpu.memory_space<vmem>> -> memref<1x128xi32, #tpu.memory_space<vmem>>
          %dma_start3A_132 = tpu.memref_squeeze %dma_start3A_131 : memref<1x128xi32, #tpu.memory_space<vmem>> -> memref<128xi32, #tpu.memory_space<vmem>>
          %dma_start3A_133 = arith.constant 0 : i32
          %dma_start3A_134 = arith.constant 0 : i32
          %dma_start3A_135 = tpu.memref_slice %arg2[%dma_start3A_133, %dma_start3A_134] : memref<10112x64xbf16, #tpu.memory_space<hbm>> -> memref<10112x64xbf16, #tpu.memory_space<hbm>>
          tpu.enqueue_indirect_dma source(%dma_start3A_135 : memref<10112x64xbf16, #tpu.memory_space<hbm>>) target(%arg10 : memref<128x64xbf16, #tpu.memory_space<vmem>>) offsets(%dma_start3A_132 : memref<128xi32, #tpu.memory_space<vmem>>) semaphore(%arg13 : memref<!tpu.dma_semaphore, #tpu.memory_space<semaphore_mem>>)
        } else {
        }
      }
      %scan3A_55 = arith.constant 20 : i32
      %dma_wait3A = arith.constant 38 : i32
      %dma_wait3A_56 = arith.constant 0 : i32
      %dma_wait3A_57 = tpu.memref_slice %arg8[%dma_wait3A, %dma_wait3A_56] : memref<40x128xi32, #tpu.memory_space<vmem>> -> memref<1x128xi32, #tpu.memory_space<vmem>>
      %dma_wait3A_58 = tpu.memref_squeeze %dma_wait3A_57 : memref<1x128xi32, #tpu.memory_space<vmem>> -> memref<128xi32, #tpu.memory_space<vmem>>
      %dma_wait3A_59 = arith.constant 0 : i32
      %dma_wait3A_60 = arith.constant 0 : i32
      %dma_wait3A_61 = tpu.memref_slice %arg11[%dma_wait3A_59, %dma_wait3A_60] : memref<10112x64xbf16, #tpu.memory_space<vmem_shared>> -> memref<10112x64xbf16, #tpu.memory_space<vmem_shared>>
      tpu.wait_indirect_dma semaphore(%arg14 : memref<!tpu.dma_semaphore, #tpu.memory_space<semaphore_mem>>) src(%arg9 : memref<128x64xbf16, #tpu.memory_space<vmem>>) dst(%dma_wait3A_61 : memref<10112x64xbf16, #tpu.memory_space<vmem_shared>>)
      %dma_wait3A_62 = arith.constant 39 : i32
      %dma_wait3A_63 = arith.constant 0 : i32
      %dma_wait3A_64 = tpu.memref_slice %arg8[%dma_wait3A_62, %dma_wait3A_63] : memref<40x128xi32, #tpu.memory_space<vmem>> -> memref<1x128xi32, #tpu.memory_space<vmem>>
      %dma_wait3A_65 = tpu.memref_squeeze %dma_wait3A_64 : memref<1x128xi32, #tpu.memory_space<vmem>> -> memref<128xi32, #tpu.memory_space<vmem>>
      %dma_wait3A_66 = arith.constant 0 : i32
      %dma_wait3A_67 = arith.constant 0 : i32
      %dma_wait3A_68 = tpu.memref_slice %arg11[%dma_wait3A_66, %dma_wait3A_67] : memref<10112x64xbf16, #tpu.memory_space<vmem_shared>> -> memref<10112x64xbf16, #tpu.memory_space<vmem_shared>>
      tpu.wait_indirect_dma semaphore(%arg15 : memref<!tpu.dma_semaphore, #tpu.memory_space<semaphore_mem>>) src(%arg10 : memref<128x64xbf16, #tpu.memory_space<vmem>>) dst(%dma_wait3A_68 : memref<10112x64xbf16, #tpu.memory_space<vmem_shared>>)
    }
    %barrier3A_28 = arith.constant 0 : index
    tpu.barrier barrier_id(%barrier3A_28)
    %mul3A_29 = arith.constant 632 : i32
    %mul3A_30 = arith.muli %arg1, %mul3A_29 : i32
    %mul3A_31 = arith.constant 632 : i32
    %mul3A_32 = arith.muli %arg1, %mul3A_31 : i32
    "tpu.region"() ({
      %run_scoped3A = tpu.sem_alloc : memref<!tpu.dma_semaphore, #tpu.memory_space<semaphore_mem>>
      %dma_start3A = arith.constant 0 : i32
      %dma_start3A_33 = tpu.memref_slice %arg6[%arg0, %mul3A_32, %dma_start3A] : memref<2x10112x64xbf16, #tpu.memory_space<hbm>> -> memref<1x632x64xbf16, #tpu.memory_space<hbm>>
      %dma_start3A_34 = tpu.memref_squeeze %dma_start3A_33 : memref<1x632x64xbf16, #tpu.memory_space<hbm>> -> memref<632x64xbf16, #tpu.memory_space<hbm>>
      %dma_start3A_35 = arith.constant 0 : i32
      %dma_start3A_36 = tpu.memref_slice %arg11[%mul3A_30, %dma_start3A_35] : memref<10112x64xbf16, #tpu.memory_space<vmem_shared>> -> memref<632x64xbf16, #tpu.memory_space<vmem_shared>>
      tpu.enqueue_dma source(%dma_start3A_36 : memref<632x64xbf16, #tpu.memory_space<vmem_shared>>) target(%dma_start3A_34 : memref<632x64xbf16, #tpu.memory_space<hbm>>) target_semaphore(%run_scoped3A : memref<!tpu.dma_semaphore, #tpu.memory_space<semaphore_mem>>)
      %dma_wait3A = arith.constant 0 : i32
      %dma_wait3A_37 = tpu.memref_slice %arg6[%arg0, %mul3A_32, %dma_wait3A] : memref<2x10112x64xbf16, #tpu.memory_space<hbm>> -> memref<1x632x64xbf16, #tpu.memory_space<hbm>>
      %dma_wait3A_38 = tpu.memref_squeeze %dma_wait3A_37 : memref<1x632x64xbf16, #tpu.memory_space<hbm>> -> memref<632x64xbf16, #tpu.memory_space<hbm>>
      %dma_wait3A_39 = arith.constant 0 : i32
      %dma_wait3A_40 = tpu.memref_slice %arg11[%mul3A_30, %dma_wait3A_39] : memref<10112x64xbf16, #tpu.memory_space<vmem_shared>> -> memref<632x64xbf16, #tpu.memory_space<vmem_shared>>
      tpu.wait_dma2 semaphore(%run_scoped3A : memref<!tpu.dma_semaphore, #tpu.memory_space<semaphore_mem>>) src(%dma_wait3A_40 : memref<632x64xbf16, #tpu.memory_space<vmem_shared>>) dst(%dma_wait3A_38 : memref<632x64xbf16, #tpu.memory_space<hbm>>)
      tpu.yield
    }) : () -> ()
    return
  }
}

module attributes {stable_mosaic.version = 14 : i64} {
  func.func @body(%arg0: memref<10112x128xf32, #tpu.memory_space<vmem>>, %arg1: memref<128x128xf32, #tpu.memory_space<vmem>>, %arg2: memref<10112x128xf32, #tpu.memory_space<vmem>>) attributes {dimension_semantics = [], scalar_prefetch = 0 : i64, scratch_operands = 0 : i64, tpu.core_type = #tpu.core_type<tc>} {
    %get3A = arith.constant 0 : index
    %get3A_0 = arith.constant 0 : index
    %get3A_1 = vector.load %arg0[%get3A, %get3A_0] : memref<10112x128xf32, #tpu.memory_space<vmem>>, vector<10112x128xf32>
    %get3A_2 = arith.constant 0 : index
    %get3A_3 = arith.constant 0 : index
    %get3A_4 = vector.load %arg1[%get3A_2, %get3A_3] : memref<128x128xf32, #tpu.memory_space<vmem>>, vector<128x128xf32>
    %dot_general3A = arith.constant dense<0.000000e+00> : vector<10112x128xf32>
    %dot_general3A_5 = tpu.matmul %get3A_1, %get3A_4, %dot_general3A {dimension_numbers = #tpu.dot_dimension_numbers<[1], [0], [0], [1], [0, 0, 1, 1], [], []>, precision = #tpu.contract_precision<fp32>, transpose_lhs_hint = false} : vector<10112x128xf32>, vector<128x128xf32>, vector<10112x128xf32> -> vector<10112x128xf32>
    %swap3A = arith.constant 0 : index
    %swap3A_6 = arith.constant 0 : index
    %swap3A_7 = vector.load %arg2[%swap3A, %swap3A_6] : memref<10112x128xf32, #tpu.memory_space<vmem>>, vector<10112x128xf32>
    tpu.vector_store %arg2[%swap3A, %swap3A_6], %dot_general3A_5 {strides = array<i32>} : memref<10112x128xf32, #tpu.memory_space<vmem>>, vector<10112x128xf32>,
    return
  }
}

module attributes {stable_mosaic.version = 14 : i64} {
  func.func @body(%arg0: memref<2x10112x16xf32, #tpu.memory_space<vmem>>, %arg1: memref<10112x128xf32, #tpu.memory_space<vmem>>, %arg2: memref<10112x128xbf16, #tpu.memory_space<vmem>>, %arg3: memref<10112x1xf32, #tpu.memory_space<vmem>>) attributes {dimension_semantics = [], scalar_prefetch = 0 : i64, scratch_operands = 0 : i64, tpu.core_type = #tpu.core_type<tc>} {
    %get3A = arith.constant 0 : index
    %get3A_0 = arith.constant 0 : index
    %get3A_1 = arith.constant 0 : index
    %get3A_2 = vector.load %arg0[%get3A, %get3A_0, %get3A_1] : memref<2x10112x16xf32, #tpu.memory_space<vmem>>, vector<1x10112x1xf32>
    %get3A_3 = vector.shape_cast %get3A_2 : vector<1x10112x1xf32> to vector<10112x1xf32>
    %add3A = arith.constant 1.000000e+00 : f32
    %add3A_4 = vector.broadcast %add3A : f32 to vector<10112x1xf32>
    %add3A_5 = arith.addf %add3A_4, %get3A_3 : vector<10112x1xf32>
    %get3A_6 = arith.constant 1 : index
    %get3A_7 = arith.constant 0 : index
    %get3A_8 = arith.constant 0 : index
    %get3A_9 = vector.load %arg0[%get3A_6, %get3A_7, %get3A_8] : memref<2x10112x16xf32, #tpu.memory_space<vmem>>, vector<1x10112x1xf32>
    %get3A_10 = vector.shape_cast %get3A_9 : vector<1x10112x1xf32> to vector<10112x1xf32>
    %add3A_11 = arith.addf %add3A_5, %get3A_10 : vector<10112x1xf32>
    %rsqrt3A = math.rsqrt %add3A_11 : vector<10112x1xf32>
    %swap3A = arith.constant 0 : index
    %swap3A_12 = arith.constant 0 : index
    %swap3A_13 = vector.load %arg3[%swap3A, %swap3A_12] : memref<10112x1xf32, #tpu.memory_space<vmem>>, vector<10112x1xf32>
    tpu.vector_store %arg3[%swap3A, %swap3A_12], %rsqrt3A {strides = array<i32>} : memref<10112x1xf32, #tpu.memory_space<vmem>>, vector<10112x1xf32>,
    %get3A_14 = arith.constant 0 : index
    %get3A_15 = arith.constant 0 : index
    %get3A_16 = vector.load %arg1[%get3A_14, %get3A_15] : memref<10112x128xf32, #tpu.memory_space<vmem>>, vector<10112x128xf32>
    %mul3A = vector.broadcast %rsqrt3A : vector<10112x1xf32> to vector<10112x128xf32>
    %mul3A_17 = arith.mulf %mul3A, %get3A_16 : vector<10112x128xf32>
    %convert_element_type3A = arith.truncf %mul3A_17 : vector<10112x128xf32> to vector<10112x128xbf16>
    %swap3A_18 = arith.constant 0 : index
    %swap3A_19 = arith.constant 0 : index
    %swap3A_20 = vector.load %arg2[%swap3A_18, %swap3A_19] : memref<10112x128xbf16, #tpu.memory_space<vmem>>, vector<10112x128xbf16>
    tpu.vector_store %arg2[%swap3A_18, %swap3A_19], %convert_element_type3A {strides = array<i32>} : memref<10112x128xbf16, #tpu.memory_space<vmem>>, vector<10112x128xbf16>,
    return
  }
}

module attributes {stable_mosaic.version = 14 : i64} {
  func.func @body(%arg0: memref<2x10112x128xbf16, #tpu.memory_space<vmem>>, %arg1: memref<10112x128xbf16, #tpu.memory_space<vmem>>, %arg2: memref<10112x1xf32, #tpu.memory_space<vmem>>, %arg3: memref<1x128xf32, #tpu.memory_space<vmem>>, %arg4: memref<128x64xf32, #tpu.memory_space<vmem>>, %arg5: memref<10112x64xbf16, #tpu.memory_space<vmem>>) attributes {dimension_semantics = [], scalar_prefetch = 0 : i64, scratch_operands = 0 : i64, tpu.core_type = #tpu.core_type<tc>} {
    %get3A = arith.constant 0 : index
    %get3A_0 = arith.constant 0 : index
    %get3A_1 = vector.load %arg2[%get3A, %get3A_0] : memref<10112x1xf32, #tpu.memory_space<vmem>>, vector<10112x1xf32>
    %get3A_2 = arith.constant 0 : index
    %get3A_3 = arith.constant 0 : index
    %get3A_4 = arith.constant 0 : index
    %get3A_5 = vector.load %arg0[%get3A_2, %get3A_3, %get3A_4] : memref<2x10112x128xbf16, #tpu.memory_space<vmem>>, vector<1x10112x128xbf16>
    %get3A_6 = vector.shape_cast %get3A_5 : vector<1x10112x128xbf16> to vector<10112x128xbf16>
    %convert_element_type3A = arith.extf %get3A_6 : vector<10112x128xbf16> to vector<10112x128xf32>
    %get3A_7 = arith.constant 1 : index
    %get3A_8 = arith.constant 0 : index
    %get3A_9 = arith.constant 0 : index
    %get3A_10 = vector.load %arg0[%get3A_7, %get3A_8, %get3A_9] : memref<2x10112x128xbf16, #tpu.memory_space<vmem>>, vector<1x10112x128xbf16>
    %get3A_11 = vector.shape_cast %get3A_10 : vector<1x10112x128xbf16> to vector<10112x128xbf16>
    %convert_element_type3A_12 = arith.extf %get3A_11 : vector<10112x128xbf16> to vector<10112x128xf32>
    %add3A = arith.addf %convert_element_type3A, %convert_element_type3A_12 : vector<10112x128xf32>
    %get3A_13 = arith.constant 0 : index
    %get3A_14 = arith.constant 0 : index
    %get3A_15 = vector.load %arg1[%get3A_13, %get3A_14] : memref<10112x128xbf16, #tpu.memory_space<vmem>>, vector<10112x128xbf16>
    %convert_element_type3A_16 = arith.extf %get3A_15 : vector<10112x128xbf16> to vector<10112x128xf32>
    %add3A_17 = arith.addf %add3A, %convert_element_type3A_16 : vector<10112x128xf32>
    %mul3A = vector.broadcast %get3A_1 : vector<10112x1xf32> to vector<10112x128xf32>
    %mul3A_18 = arith.mulf %mul3A, %add3A_17 : vector<10112x128xf32>
    %get3A_19 = arith.constant 0 : index
    %get3A_20 = arith.constant 0 : index
    %get3A_21 = vector.load %arg3[%get3A_19, %get3A_20] : memref<1x128xf32, #tpu.memory_space<vmem>>, vector<1x128xf32>
    %add3A_22 = vector.broadcast %get3A_21 : vector<1x128xf32> to vector<10112x128xf32>
    %add3A_23 = arith.addf %mul3A_18, %add3A_22 : vector<10112x128xf32>
    %max3A = arith.constant 0.000000e+00 : f32
    %max3A_24 = vector.broadcast %max3A : f32 to vector<10112x128xf32>
    %max3A_25 = arith.maximumf %add3A_23, %max3A_24 : vector<10112x128xf32>
    %iota3A = tpu.iota {dimensions = array<i32: 0>} : vector<10112x128xi32>
    %lt3A = arith.constant 10000 : i32
    %lt3A_26 = vector.broadcast %lt3A : i32 to vector<10112x128xi32>
    %lt3A_27 = arith.cmpi slt, %iota3A, %lt3A_26 : vector<10112x128xi32>
    %jit3A = arith.constant 0.000000e+00 : f32
    %broadcast_in_dim3A = vector.broadcast %jit3A : f32 to vector<10112x128xf32>
    %select_n3A = arith.select %lt3A_27, %max3A_25, %broadcast_in_dim3A : vector<10112x128xi1>, vector<10112x128xf32>
    %get3A_28 = arith.constant 0 : index
    %get3A_29 = arith.constant 0 : index
    %get3A_30 = vector.load %arg4[%get3A_28, %get3A_29] : memref<128x64xf32, #tpu.memory_space<vmem>>, vector<128x64xf32>
    %dot_general3A = arith.constant dense<0.000000e+00> : vector<10112x64xf32>
    %dot_general3A_31 = tpu.matmul %select_n3A, %get3A_30, %dot_general3A {dimension_numbers = #tpu.dot_dimension_numbers<[1], [0], [0], [1], [0, 0, 1, 1], [], []>, precision = #tpu.contract_precision<fp32>, transpose_lhs_hint = false} : vector<10112x128xf32>, vector<128x64xf32>, vector<10112x64xf32> -> vector<10112x64xf32>
    %mul3A_32 = vector.broadcast %get3A_1 : vector<10112x1xf32> to vector<10112x64xf32>
    %mul3A_33 = arith.mulf %mul3A_32, %dot_general3A_31 : vector<10112x64xf32>
    %convert_element_type3A_34 = arith.truncf %mul3A_33 : vector<10112x64xf32> to vector<10112x64xbf16>
    %swap3A = arith.constant 0 : index
    %swap3A_35 = arith.constant 0 : index
    %swap3A_36 = vector.load %arg5[%swap3A, %swap3A_35] : memref<10112x64xbf16, #tpu.memory_space<vmem>>, vector<10112x64xbf16>
    tpu.vector_store %arg5[%swap3A, %swap3A_35], %convert_element_type3A_34 {strides = array<i32>} : memref<10112x64xbf16, #tpu.memory_space<vmem>>, vector<10112x64xbf16>,
    return
  }
}

module attributes {stable_mosaic.version = 14 : i64} {
  func.func @body(%arg0: memref<2x10112x64xbf16, #tpu.memory_space<vmem>>, %arg1: memref<10112x64xbf16, #tpu.memory_space<vmem>>, %arg2: memref<10112x1xf32, #tpu.memory_space<vmem>>, %arg3: memref<1x64xf32, #tpu.memory_space<vmem>>, %arg4: memref<10000x40xf32, #tpu.memory_space<vmem>>) attributes {dimension_semantics = [], scalar_prefetch = 0 : i64, scratch_operands = 0 : i64, tpu.core_type = #tpu.core_type<tc>} {
    %get3A = arith.constant 0 : index
    %get3A_0 = arith.constant 0 : index
    %get3A_1 = arith.constant 0 : index
    %get3A_2 = vector.load %arg0[%get3A, %get3A_0, %get3A_1] : memref<2x10112x64xbf16, #tpu.memory_space<vmem>>, vector<1x10112x64xbf16>
    %get3A_3 = vector.shape_cast %get3A_2 : vector<1x10112x64xbf16> to vector<10112x64xbf16>
    %convert_element_type3A = arith.extf %get3A_3 : vector<10112x64xbf16> to vector<10112x64xf32>
    %get3A_4 = arith.constant 1 : index
    %get3A_5 = arith.constant 0 : index
    %get3A_6 = arith.constant 0 : index
    %get3A_7 = vector.load %arg0[%get3A_4, %get3A_5, %get3A_6] : memref<2x10112x64xbf16, #tpu.memory_space<vmem>>, vector<1x10112x64xbf16>
    %get3A_8 = vector.shape_cast %get3A_7 : vector<1x10112x64xbf16> to vector<10112x64xbf16>
    %convert_element_type3A_9 = arith.extf %get3A_8 : vector<10112x64xbf16> to vector<10112x64xf32>
    %add3A = arith.addf %convert_element_type3A, %convert_element_type3A_9 : vector<10112x64xf32>
    %get3A_10 = arith.constant 0 : index
    %get3A_11 = arith.constant 0 : index
    %get3A_12 = vector.load %arg1[%get3A_10, %get3A_11] : memref<10112x64xbf16, #tpu.memory_space<vmem>>, vector<10112x64xbf16>
    %convert_element_type3A_13 = arith.extf %get3A_12 : vector<10112x64xbf16> to vector<10112x64xf32>
    %add3A_14 = arith.addf %add3A, %convert_element_type3A_13 : vector<10112x64xf32>
    %get3A_15 = arith.constant 0 : index
    %get3A_16 = arith.constant 0 : index
    %get3A_17 = vector.load %arg2[%get3A_15, %get3A_16] : memref<10112x1xf32, #tpu.memory_space<vmem>>, vector<10112x1xf32>
    %mul3A = vector.broadcast %get3A_17 : vector<10112x1xf32> to vector<10112x64xf32>
    %mul3A_18 = arith.mulf %mul3A, %add3A_14 : vector<10112x64xf32>
    %get3A_19 = arith.constant 0 : index
    %get3A_20 = arith.constant 0 : index
    %get3A_21 = vector.load %arg3[%get3A_19, %get3A_20] : memref<1x64xf32, #tpu.memory_space<vmem>>, vector<1x64xf32>
    %add3A_22 = vector.broadcast %get3A_21 : vector<1x64xf32> to vector<10112x64xf32>
    %add3A_23 = arith.addf %mul3A_18, %add3A_22 : vector<10112x64xf32>
    %iota3A = tpu.iota {dimensions = array<i32: 1>} : vector<10112x64xi32>
    %lt3A = arith.constant 40 : i32
    %lt3A_24 = vector.broadcast %lt3A : i32 to vector<10112x64xi32>
    %lt3A_25 = arith.cmpi slt, %iota3A, %lt3A_24 : vector<10112x64xi32>
    %jit3A = arith.constant -1.000000e+30 : f32
    %broadcast_in_dim3A = vector.broadcast %jit3A : f32 to vector<10112x64xf32>
    %select_n3A = arith.select %lt3A_25, %add3A_23, %broadcast_in_dim3A : vector<10112x64xi1>, vector<10112x64xf32>
    %reduce_max3A = arith.constant dense<0xFF800000> : vector<10112xf32>
    %reduce_max3A_26 = vector.multi_reduction <maximumf>, %select_n3A, %reduce_max3A [1] : vector<10112x64xf32> to vector<10112xf32>
    %broadcast_in_dim3A_27 = vector.shape_cast %reduce_max3A_26 : vector<10112xf32> to vector<10112x1xf32>
    %sub3A = vector.broadcast %broadcast_in_dim3A_27 : vector<10112x1xf32> to vector<10112x64xf32>
    %sub3A_28 = arith.subf %add3A_23, %sub3A : vector<10112x64xf32>
    %exp3A = math.exp %sub3A_28 : vector<10112x64xf32>
    %jit3A_29 = arith.constant 0.000000e+00 : f32
    %broadcast_in_dim3A_30 = vector.broadcast %jit3A_29 : f32 to vector<10112x64xf32>
    %select_n3A_31 = arith.select %lt3A_25, %exp3A, %broadcast_in_dim3A_30 : vector<10112x64xi1>, vector<10112x64xf32>
    %reduce_sum3A = arith.constant dense<0.000000e+00> : vector<10112xf32>
    %reduce_sum3A_32 = vector.multi_reduction <add>, %select_n3A_31, %reduce_sum3A [1] : vector<10112x64xf32> to vector<10112xf32>
    %broadcast_in_dim3A_33 = vector.shape_cast %reduce_sum3A_32 : vector<10112xf32> to vector<10112x1xf32>
    %sub3A_34 = vector.broadcast %broadcast_in_dim3A_27 : vector<10112x1xf32> to vector<10112x64xf32>
    %sub3A_35 = arith.subf %add3A_23, %sub3A_34 : vector<10112x64xf32>
    %log3A = math.log %broadcast_in_dim3A_33 : vector<10112x1xf32>
    %sub3A_36 = vector.broadcast %log3A : vector<10112x1xf32> to vector<10112x64xf32>
    %sub3A_37 = arith.subf %sub3A_35, %sub3A_36 : vector<10112x64xf32>
    %slice3A = vector.extract_strided_slice %sub3A_37 {offsets = [0, 0], sizes = [10000, 40], strides = [1, 1]} : vector<10112x64xf32> to vector<10000x40xf32>
    %swap3A = arith.constant 0 : index
    %swap3A_38 = arith.constant 0 : index
    %swap3A_39 = vector.load %arg4[%swap3A, %swap3A_38] : memref<10000x40xf32, #tpu.memory_space<vmem>>, vector<10000x40xf32>
    tpu.vector_store %arg4[%swap3A, %swap3A_38], %slice3A {strides = array<i32>} : memref<10000x40xf32, #tpu.memory_space<vmem>>, vector<10000x40xf32>,
    return
  }
}

</mosaic_0001>

<sc_bundles>
// kernel: kernel.12.cloned.1.call-start
scs
__scs_entry_jumppad:
0x0: {  	(pc) =	sbr.rel $0x88, $3  }
0x1: {  	(tag) =	ssettag $0x0;
	lr =	simm.s32 $0x1  }
0x2: {  	[smem:$0x3F9B] =	sst lr;
	_ =	strace $0xD0000000  }
0x3: {  	_ = 	snop  }
0x4: {  	_ = 	snop  }
0x5: {  	_ = 	snop  }
0x6: {  	_ = 	snop  }
0x7: {  	_ = 	snop  }
__scs_overlays_trampoline_lowered:
0x8: {  	[smem:$0x3FAA] =	sst s0  }
0x9: {  	[smem:$0x3FAB] =	sst s1  }
0xa: {  	[smem:$0x3FAC] =	sst s2  }
0xb: {  	[smem:$0x3FAD] =	sst s3  }
0xc: {  	[smem:$0x3FAE] =	sst s4  }
0xd: {  	[smem:$0x3FAF] =	sst s5  }
0xe: {  	[smem:$0x3FB0] =	sst s6  }
0xf: {  	[smem:$0x3FB1] =	sst s7  }
0x10: {  	[smem:$0x3FB2] =	sst s8  }
0x11: {  	[smem:$0x3FB3] =	sst s9;
	s0 =	simm.s32 @!p0 $0x0  }
0x12: {  	s1 =	sld [smem:$0x3F99];
	s0 =	simm.s32 @p0 $0x1  }
0x13: {  	[smem:$0x3FB4] =	sst s0;
	s0 =	simm.s32 @!p1 $0x0  }
0x14: {  	s2 =	sld [smem:$0x3F98];
	s0 =	simm.s32 @p1 $0x1  }
0x15: {  	[smem:$0x3FB5] =	sst s0;
	s0 =	simm.s32 @!p2 $0x0  }
0x16: {  	s3 =	sld [smem:$0x3FDB];
	s0 =	simm.s32 @p2 $0x1  }
0x17: {  	s4 =	simm.s32 $0x1BF5;
	[smem:$0x3FB7] =	sst s0  }
0x18: {  	s0 =	sld [smem:$0x3F9A];
	_ =	swait.ge [sflag:s4], $0x0  }
0x19: {  	s7 =	sld [smem:$0x3F9B]  }
0x1a: {  	s8 =	sadd.s32 $0xFFFFE003, lr  }
0x1b: {  	s9 =	sadd.s32 $0xFFFFFEF7, lr;
	s5 =	simm.s32 $0xFFFFFFFF;
	p2 =	slt.u32 s8, $0xFFFFF086  }
0x1c: {  	p1 =	slt.u32 s9, $0xF7A;
	s5 =	simm.s32 @!p2 $0x0  }
0x1d: {  	s5 =	simm.s32 @p1 $0x1;
	p0 =	seq.s32 s7, s2  }
0x1e: {  	s7 =	smul.u32 @!p0 $0xF7A, s2;
	p2 =	seq.s32 @!p0 s5, $0x0  }
0x1f: {  	s9 =	smul.u32 $0xF7A, s1;
	s8 =	simm.s32 @!p0 $0x1BF5;
	p2 =	por !p2, p0  }
0x20: {  	[sflag:s8] =	ssyncset.s32 @!p0 $0xFFFFF086;
	s6 =	sadd.s32 @!p0 s3, s7;
	s7 =	simm.s32 @!p0 $0x108  }
0x21: {  	s3 =	sadd.s32 s3, s9;
	s6 =	sadd.s32 @!p0 $0x88, s6;
	s7 =	simm.s32 @p2 $0x1082  }
0x22: {  	[simem:s7], [sflag:s8] =	dma.local @!p0 [hbm:s6], $0xF7A  }
0x23: {  	s9 =	sor.u32 $0xD0000000, s2;
	s6 =	simm.s32 $0x108;
	_ =	swait.ge @!p0 [sflag:s8], $0x0  }
0x24: {  	s3 =	sadd.s32 $0x88, s3;
	s6 =	simm.s32 @!p1 $0x1082;
	[sflag:s4] =	ssyncset.s32 $0xFFFFF086  }
0x25: {  	[simem:s6], [sflag:s4] =	dma.local [hbm:s3], $0xF7A  }
0x26: {  	[smem:$0x3F9B] =	sst s1;
	(tag) =	ssettag s2;
	_ =	strace s9  }
0x27: {  	s1 =	sld [smem:$0x3FAB]  }
0x28: {  	s2 =	sld [smem:$0x3FAC]  }
0x29: {  	s4 =	sld [smem:$0x3FAE]  }
0x2a: {  	p0 =	seq.s32 s5, $0x0;
	s5 =	sld [smem:$0x3FAF]  }
0x2b: {  	s6 =	sld [smem:$0x3FB0]  }
0x2c: {  	s7 =	sld [smem:$0x3FB1]  }
0x2d: {  	s3 =	simm.s32 $0x108;
	s8 =	sld [smem:$0x3FB2]  }
0x2e: {  	s3 =	simm.s32 @!p0 $0x1082;
	s9 =	sld [smem:$0x3FB3]  }
0x2f: {  	lr =	sadd.s32 s0, s3;
	s0 =	sld [smem:$0x3FAA]  }
0x30: {  	s3 =	sld [smem:$0x3FAD]  }
0x31: {  	[smem:$0x3FB6] =	sst s10  }
0x32: {  	s10 =	sld [smem:$0x3FB4];
	_ =	sdelay $0x3  }
0x33: {  	p0 =	seq.s32 s10, $0x1;
	s10 =	sld [smem:$0x3FB6];
	_ =	sdelay $0x3  }
0x34: {  	[smem:$0x3FB6] =	sst s10  }
0x35: {  	s10 =	sld [smem:$0x3FB5];
	_ =	sdelay $0x3  }
0x36: {  	p1 =	seq.s32 s10, $0x1;
	s10 =	sld [smem:$0x3FB6];
	_ =	sdelay $0x3  }
0x37: {  	[smem:$0x3FB6] =	sst s10  }
0x38: {  	s10 =	sld [smem:$0x3FB7]  }
0x39: {  	_ = 	snop;
	(pc) =	sbr.ind lr, $3  }
0x3a: {  	_ = 	snop  }
0x3b: {  	_ = 	snop  }
0x3c: {  	p2 =	seq.s32 s10, $0x1;
	s10 =	sld [smem:$0x3FB6]  }
0x3d: {  	_ =	shalt  }
0x3e: {  	_ =	shalt  }
0x3f: {  	_ =	shalt  }
0x40: {  	_ =	shalt  }
0x41: {  	_ =	shalt  }
0x42: {  	_ =	shalt  }
0x43: {  	_ =	shalt  }
0x44: {  	_ =	shalt  }
0x45: {  	_ =	shalt  }
0x46: {  	_ =	shalt  }
0x47: {  	_ =	shalt  }
0x48: {  	_ =	shalt  }
0x49: {  	_ =	shalt  }
0x4a: {  	_ =	shalt  }
0x4b: {  	_ =	shalt  }
0x4c: {  	_ =	shalt  }
0x4d: {  	_ =	shalt  }
0x4e: {  	_ =	shalt  }
0x4f: {  	_ =	shalt  }
0x50: {  	_ =	shalt  }
0x51: {  	_ =	shalt  }
0x52: {  	_ =	shalt  }
0x53: {  	_ =	shalt  }
0x54: {  	_ =	shalt  }
0x55: {  	_ =	shalt  }
0x56: {  	_ =	shalt  }
0x57: {  	_ =	shalt  }
0x58: {  	_ =	shalt  }
0x59: {  	_ =	shalt  }
0x5a: {  	_ =	shalt  }
0x5b: {  	_ =	shalt  }
0x5c: {  	_ =	shalt  }
0x5d: {  	_ =	shalt  }
0x5e: {  	_ =	shalt  }
0x5f: {  	_ =	shalt  }
0x60: {  	_ =	shalt  }
0x61: {  	_ =	shalt  }
0x62: {  	_ =	shalt  }
0x63: {  	_ =	shalt  }
0x64: {  	_ =	shalt  }
0x65: {  	_ =	shalt  }
0x66: {  	_ =	shalt  }
0x67: {  	_ =	shalt  }
0x68: {  	_ =	shalt  }
0x69: {  	_ =	shalt  }
0x6a: {  	_ =	shalt  }
0x6b: {  	_ =	shalt  }
0x6c: {  	_ =	shalt  }
0x6d: {  	_ =	shalt  }
0x6e: {  	_ =	shalt  }
0x6f: {  	_ =	shalt  }
0x70: {  	_ =	shalt  }
0x71: {  	_ =	shalt  }
0x72: {  	_ =	shalt  }
0x73: {  	_ =	shalt  }
0x74: {  	_ =	shalt  }
0x75: {  	_ =	shalt  }
0x76: {  	_ =	shalt  }
0x77: {  	_ =	shalt  }
0x78: {  	_ =	shalt  }
0x79: {  	_ =	shalt  }
0x7a: {  	_ =	shalt  }
0x7b: {  	_ =	shalt  }
0x7c: {  	_ =	shalt  }
0x7d: {  	_ =	shalt  }
0x7e: {  	_ =	shalt  }
0x7f: {  	_ =	shalt  }
0x80: {  	_ =	shalt  }
0x81: {  	_ =	shalt  }
0x82: {  	_ =	shalt  }
0x83: {  	_ =	shalt  }
0x84: {  	_ =	shalt  }
0x85: {  	_ =	shalt  }
0x86: {  	_ =	shalt  }
0x87: {  	_ =	shalt  }
.Lfunc_end0:
.L_simem_size_0:
called_computation.1_lowered:
.L_overlay_start_0:
0x88: {  	s2 =	sld [smem:$0x3FD9]  }
0x89: {  	s3 =	sld [smem:$0x3FFE];
	_ =	sdelay $0x1  }
0x8a: {  	s1 =	srdreg.scid  }
0x8b: {  	s0 =	sand.u32 $0x1, s1  }
0x8c: {  	s17 =	sshll.u32 s0, $0xA;
	s2 =	sadd.s32 s3, s2  }
0x8d: {  	s2 =	sadd.s32 s2, s17  }
0x8e: {  	[smem:$0x3FC2] =	sst s2  }
0x8f: {  	_ = 	snop  }
0x90: {  	s2 =	sld [smem:$0x3FD0];
	(tm) =	ssettm $0x1  }
0x91: {  	s18 =	sld [smem:$0x3FFB];
	_ =	sdelay $0x3  }
0x92: {  	_ =	strace s18  }
0x93: {  	s3 =	sld [smem:$0x3FFC];
	_ =	sdelay $0x3  }
0x94: {  	_ =	strace s3  }
0x95: {  	s3 =	sld [smem:$0x3FFD];
	_ =	sdelay $0x3  }
0x96: {  	_ =	strace s3  }
0x97: {  	_ =	strace $0x8FFFFFFF  }
0x98: {  	s19 =	sld [smem:$0x3FDB];
	_ =	sdelay $0x1  }
0x99: {  	s4 =	simm.s32 $_scs_section_size  }
0x9a: {  	s5 =	simm.s32 $_size__tile_overlayer_lowered;
	s6 =	simm.s32 $_tile_overlayer_lowered  }
0x9b: {  	s22 =	simm.s32 $0x1BFF;
	s21 =	sshll.u32 s6, $0x1;
	s3 =	sadd.s32 s4, s19  }
0x9c: {  	s7 =	simm.s32 $0x0;
	s20 =	sshll.u32 s5, $0x1;
	s5 =	sadd.s32 s21, s3  }
0x9d: {  	[timem:s7], [sflag:s22] =	dma.local [hbm:s5], s20  }
0x9e: {  	_ =	swait.ge [sflag:s22], s20  }
0x9f: {  	s4 =	ssub.s32 $0x0, s20;
	[sflag:s22] =	ssyncset.done $0x0  }
0xa0: {  	[sflag:s22] =	ssyncadd.s32 s4;
	_ =	sdelay $0x1  }
0xa1: {  	s23 =	simm.s32 $0x1B8B  }
0xa2: {  	_ =	swait.ge [sflag:s23], $0x1  }
0xa3: {  	[sflag:s23] =	ssyncset.done $0x0  }
0xa4: {  	s25 =	simm.s32 $0x1B8E;
	s24 =	sld [smem:$0x3FFE];
	[sflag:s23] =	ssyncadd.s32 $0xFFFFFFFF  }
0xa5: {  	s26 =	simm.s32 $execute0_lowered;
	[smem:$0x3FD2] =	sst s25  }
0xa6: {  	s5 =	sshll.u32 s26, $0x1;
	_ =	strace $0x80000049;
	[dreg:$0x1] =	wrdreg $0xFFFFFFFF  }
0xa7: {  	s28 =	simm.s32 $_size_execute0_lowered;
	s3 =	sadd.s32 s3, s5;
	[dreg:$0x0] =	wrdreg $0x0  }
0xa8: {  	s5 =	sshll.u32 s28, $0x1;
	[dreg:$0x2] =	wrdreg s3  }
0xa9: {  	[dreg:$0x3] =	wrdreg s5  }
0xaa: {  	[dreg:$0x4] =	wrdreg $0xC0  }
0xab: {  	_ =	task [dreg:s7], $0x5FFFF  }
0xac: {  	[dreg:$0x1] =	wrdreg $0xFFFFFFFF  }
0xad: {  	[dreg:$0x0] =	wrdreg $0x60  }
0xae: {  	[dreg:$0x2] =	wrdreg s24  }
0xaf: {  	[dreg:$0x3] =	wrdreg s2  }
0xb0: {  	[dreg:$0x4] =	wrdreg $0x68000  }
0xb1: {  	[dreg:$0x5] =	wrdreg $0x9  }
0xb2: {  	_ =	task.clear_ibuf [dreg:s7], $0x6FFFF;
	_ =	strace $0x90000049  }
0xb3: {  	s29 =	simm.s32 $0x9;
	_ =	strace $0x8000004B  }
0xb4: {  	_ =	swait.ge [sflag:s29], $0x1  }
0xb5: {  	[sflag:s29] =	ssyncadd.s32 $0xFFFFFFFF  }
0xb6: {  	_ =	strace $0x9000004B  }
0xb7: {  	_ =	sfence  }
0xb8: {  	s30 =	sld [smem:$0x0];
	_ =	sdelay $0x2  }
0xb9: {  	s31 =	sshll.u32 s1, $0xD;
	s1 =	sshrl.u32 s1, $0x2  }
0xba: {  	s3 =	sand.u32 $0x4000, s31;
	s1 =	sadd.s32 s1, s30  }
0xbb: {  	s0 =	sor.u32 s3, s0;
	s1 =	sshll.u32 s1, $0x11  }
0xbc: {  	s0 =	sor.u32 s1, s0  }
0xbd: {  	s0 =	sadd.s32 $0x8F2B, s0  }
0xbe: {  	[sflag:s0] =	ssyncadd.remote.s32 $0x1  }
0xbf: {  	_ =	sfence.sel $0xFFFF  }
0xc0: {  	[dreg:$0x0] =	wrdreg $0xFFFFFFFF;
	(pc) =	sbr.abs _section_cstart, $3  }
0xc1: {  	[dreg:$0x1] =	wrdreg $0xFFFFFFFF  }
0xc2: {  	_ =	task.clear_ibuf [dreg:s7], $0x2FFFF;
	_ =	strace $0x9FFFFFFF  }
0xc3: {  	(tm) =	ssettm $0x7FFFFFFF  }
tec
execute0_lowered:
.L_overlay_start_1:
0x0: {  	(tag) =	ssettag $0x1  }
0x1: {  	s7 =	rddreg [dreg:$0x0]  }
0x2: {  	s2 =	rddreg [dreg:$0x1]  }
0x3: {  	s3 =	rddreg [dreg:$0x2]  }
0x4: {  	s0 =	rddreg [dreg:$0x3];
	s4 =	simm.s32 $0x0;
	s1 =	stileid.u32  }
0x5: {  	s5 =	srdreg.scid;
	s16 =	simm.s32 $0x1400;
	s17 =	simm.s32 $0x80  }
0x6: {  	s18 =	simm.s32 $0x2800;
	s19 =	simm.s32 $0x4800;
	s20 =	simm.s32 $0x1  }
0x7: {  	s21 =	simm.s32 $0x2;
	s22 =	simm.s32 $0x3;
	s23 =	simm.s32 $0x4  }
0x8: {  	s24 =	simm.s32 $0x2700;
	s25 =	simm.s32 $0x2780;
	[smem:$0x7FF] =	sst s4  }
0x9: {  	s8 =	smul.u32 $0x13C00, s1;
	s10 =	sand.u32 $0x1, s5;
	s5 =	sadd.s32 $0x2DC00, s7  }
0xa: {  	s6 =	sadd.s32 $0x10000, s7;
	s30 =	sshll.u32 s1, $0x6;
	_ =	strace $0x8000004A  }
0xb: {  	s9 =	smul.u32 $0x13C000, s10;
	s12 =	ssub.s32 $0x2, s10;
	s31 =	sshll.u32 s10, $0x1  }
0xc: {  	s10 =	smul.u32 $0x780, s10;
	s11 =	sshrl.u32 s8, $0x4;
	s13 =	sshrl.u32 s12, $0x1  }
0xd: {  	s11 =	sadd.s32 s11, s7;
	s9 =	sadd.s32 s8, s9;
	s8 =	sshrl.u32 s8, $0x1  }
0xe: {  	s13 =	ssub.s32 s12, s13;
	s9 =	sshrl.u32 s9, $0x4;
	s15 =	sadd.s32 s8, s3  }
0xf: {  	s8 =	sor.u32 $0x1C05, s30;
	s14 =	sadd.s32 s9, s7;
	s9 =	sxor.u32 $0x3, s31  }
0x10: {  	s13 =	smax.u32 s13, $0x1;
	s7 =	sadd.s32 $0x1A000, s11;
	s11 =	smul.u32 s1, s9  }
0x11: {  	s12 =	sadd.s32 $0x41800, s14;
	s14 =	sshrl.u32 s15, $0x3;
	s15 =	simm.s32 $0x5  }
.LBB2_1:
0x12: {  	[spmem:s14], [sflag:s8] =	dma.local [hbm:s7], $0x13C0  }
0x13: {  	_ =	swait.ge [sflag:s15], $0x13C0  }
0x14: {  	[sflag:s15] =	ssyncset.done $0x0  }
0x15: {  	[sflag:s15] =	ssyncadd.s32 $0xFFFFEC40  }
0x16: {  	s26 =	simm.s32 $0x0;
	[bflag:$0x0] =	sbarrier.arrive $0xFFFF  }
.LBB2_2:
0x17: {  	s28 =	sadd.s32 s11, s26  }
0x18: {  	s28 =	smul.u32 $0x28, s28;
	_ =	sdelay $0x1  }
0x19: {  	s28 =	sadd.s32 s10, s28  }
0x1a: {  	s28 =	sshll.u32 s28, $0x4  }
0x1b: {  	s30 =	simm.s32 $0x0;
	s29 =	sadd.s32 s6, s28  }
0x1c: {  	[tilespmem:s30], [sflag:$0x5] =	stream.linear.gather [hbm4b:s29+s30], $0x1400, $0x38;
	[tilespmem:$0x10600] =	vst v63  }
0x1d: {  	_ =	swait.ge [sflag:s15], $0x1400  }
0x1e: {  	[sflag:s15] =	ssyncset.done $0x0  }
0x1f: {  	s28 =	sadd.s32 s2, s28;
	[sflag:s15] =	ssyncadd.s32 $0xFFFFEC00  }
0x20: {  	[tilespmem:s16], [sflag:$0x5] =	stream.linear.gather [hbm4b:s28+s30], $0x1400, $0x38;
	[tilespmem:$0x10600] =	vst v63  }
0x21: {  	_ =	swait.ge [sflag:s15], $0x1400  }
0x22: {  	[sflag:s15] =	ssyncset.done $0x0  }
0x23: {  	[sflag:s15] =	ssyncadd.s32 $0xFFFFEC00  }
0x24: {  	[tilespmem:s18], [sflag:$0x1] =	stream.indirect.gather [hbm4b:s5+s17], $0x40, s30, s17, $0xb8;
	[tilespmem:$0x10600] =	vst v63  }
0x25: {  	_ = 	snop  }
0x26: {  	[tilespmem:s19], [sflag:$0x2] =	stream.indirect.gather [hbm4b:s5+s17], $0x40, s17, s17, $0xb8;
	[tilespmem:$0x10600] =	vst v63  }
0x27: {  	_ =	swait.ge [sflag:s20], $0x2000  }
0x28: {  	[sflag:s20] =	ssyncset.done $0x0  }
0x29: {  	s28 =	simm.s32 $0x1400;
	[sflag:s20] =	ssyncadd.s32 $0xFFFFE000  }
0x2a: {  	[spmem:s3] =	stream.indirect.scatter.add.bf16 [tilespmem:s18], [sflag:$0x3], $0x40, s28, s17, $0xb8;
	[tilespmem:$0x10600] =	vst v63  }
0x2b: {  	_ =	swait.ge [sflag:s21], $0x2000  }
0x2c: {  	[sflag:s21] =	ssyncset.done $0x0  }
0x2d: {  	s28 =	simm.s32 $0x1480;
	[sflag:s21] =	ssyncadd.s32 $0xFFFFE000  }
0x2e: {  	[spmem:s3] =	stream.indirect.scatter.add.bf16 [tilespmem:s19], [sflag:$0x4], $0x40, s28, s17, $0xb8;
	[tilespmem:$0x10600] =	vst v63  }
0x2f: {  	_ =	swait.ge [sflag:s22], $0x2000  }
0x30: {  	[sflag:s22] =	ssyncset.done $0x0  }
0x31: {  	s28 =	simm.s32 $0x100;
	[sflag:s22] =	ssyncadd.s32 $0xFFFFE000  }
0x32: {  	[tilespmem:s18], [sflag:$0x1] =	stream.indirect.gather [hbm4b:s5+s17], $0x40, s28, s17, $0xb8;
	[tilespmem:$0x10600] =	vst v63  }
0x33: {  	_ =	swait.ge [sflag:s23], $0x2000  }
0x34: {  	[sflag:s23] =	ssyncset.done $0x0  }
0x35: {  	s29 =	simm.s32 $0x180;
	s28 =	simm.s32 $0x400;
	[sflag:s23] =	ssyncadd.s32 $0xFFFFE000  }
.LBB2_3:
0x36: {  	[tilespmem:s19], [sflag:$0x2] =	stream.indirect.gather [hbm4b:s5+s17], $0x40, s29, s17, $0xb8;
	[tilespmem:$0x10600] =	vst v63  }
0x37: {  	s29 =	smov.u32 s28  }
0x38: {  	p0 =	sne.s32 s28, $0x4800;
	s28 =	sadd.s32 $0x400, s28;
	_ =	swait.ge [sflag:s20], $0x2000  }
0x39: {  	s29 =	sshra.s32 s29, $0x2;
	[sflag:s20] =	ssyncset.done $0x0  }
0x3a: {  	s30 =	sadd.s32 $0x1400, s29;
	[sflag:s20] =	ssyncadd.s32 $0xFFFFE000  }
0x3b: {  	[spmem:s3] =	stream.indirect.scatter.add.bf16 [tilespmem:s18], [sflag:$0x3], $0x40, s30, s17, $0xb8;
	[tilespmem:$0x10600] =	vst v63  }
0x3c: {  	_ =	swait.ge [sflag:s21], $0x2000  }
0x3d: {  	[sflag:s21] =	ssyncset.done $0x0  }
0x3e: {  	s30 =	sadd.s32 $0x1480, s29;
	[sflag:s21] =	ssyncadd.s32 $0xFFFFE000  }
0x3f: {  	[spmem:s3] =	stream.indirect.scatter.add.bf16 [tilespmem:s19], [sflag:$0x4], $0x40, s30, s17, $0xb8;
	[tilespmem:$0x10600] =	vst v63  }
0x40: {  	_ =	swait.ge [sflag:s22], $0x2000  }
0x41: {  	[sflag:s22] =	ssyncset.done $0x0  }
.Ltmp0:
0x42: {  	s30 =	sadd.s32 $0x100, s29;
	[sflag:s22] =	ssyncadd.s32 $0xFFFFE000;
	(pc) =	sbr.rel @p0 .LBB2_3-.Ltmp0, $4  }
0x43: {  	[tilespmem:s18], [sflag:$0x1] =	stream.indirect.gather [hbm4b:s5+s17], $0x40, s30, s17, $0xb8;
	[tilespmem:$0x10600] =	vst v63  }
0x44: {  	_ =	swait.ge [sflag:s23], $0x2000  }
0x45: {  	[sflag:s23] =	ssyncset.done $0x0  }
0x46: {  	s29 =	sadd.s32 $0x180, s29;
	[sflag:s23] =	ssyncadd.s32 $0xFFFFE000  }
0x47: {  	[tilespmem:s19], [sflag:$0x2] =	stream.indirect.gather [hbm4b:s5+s17], $0x40, s29, s17, $0xb8;
	[tilespmem:$0x10600] =	vst v63  }
0x48: {  	_ =	swait.ge [sflag:s20], $0x2000  }
0x49: {  	[sflag:s20] =	ssyncset.done $0x0  }
0x4a: {  	[sflag:s20] =	ssyncadd.s32 $0xFFFFE000  }
0x4b: {  	[spmem:s3] =	stream.indirect.scatter.add.bf16 [tilespmem:s18], [sflag:$0x3], $0x40, s24, s17, $0xb8;
	[tilespmem:$0x10600] =	vst v63  }
0x4c: {  	_ =	swait.ge [sflag:s21], $0x2000  }
0x4d: {  	[sflag:s21] =	ssyncset.done $0x0  }
0x4e: {  	s26 =	sadd.s32 $0x1, s26;
	[sflag:s21] =	ssyncadd.s32 $0xFFFFE000  }
0x4f: {  	[spmem:s3] =	stream.indirect.scatter.add.bf16 [tilespmem:s19], [sflag:$0x4], $0x40, s25, s17, $0xb8;
	[tilespmem:$0x10600] =	vst v63  }
0x50: {  	p0 =	sne.s32 s26, s9;
	_ =	swait.ge [sflag:s22], $0x2000  }
.Ltmp1:
0x51: {  	[sflag:s22] =	ssyncset.done $0x0;
	(pc) =	sbr.rel @p0 .LBB2_2-.Ltmp1, $4  }
0x52: {  	[sflag:s22] =	ssyncadd.s32 $0xFFFFE000  }
0x53: {  	_ =	swait.ge [sflag:s23], $0x2000  }
0x54: {  	[sflag:s23] =	ssyncset.done $0x0  }
0x55: {  	[sflag:s23] =	ssyncadd.s32 $0xFFFFE000  }
0x56: {  	s4 =	sadd.s32 $0x1, s4  }
0x57: {  	p0 =	sne.s32 s4, s13  }
.Ltmp2:
0x58: {  	[bflag:$0x0] =	sbarrier.arrive $0xFFFF;
	(pc) =	sbr.rel @p0 .LBB2_1-.Ltmp2, $4  }
0x59: {  	[hbm:s12], [sflag:s8] =	dma.local [spmem:s14], $0x13C0  }
0x5a: {  	_ =	swait.ge [sflag:s15], $0x13C0  }
0x5b: {  	[sflag:s15] =	ssyncset.done $0x0  }
0x5c: {  	[sflag:s15] =	ssyncadd.s32 $0xFFFFEC40  }
0x5d: {  	_ =	sfence.sel $0x180000  }
0x5e: {  	[bflag:$0x0] =	sbarrier.arrive $0xFFFF  }
0x5f: {  	p0 =	sne.s32 s1, $0x0;
	_ =	strace $0x9000004A  }
0x60: {  	s0 =	sadd.s32 @!p0 $0x100000, s0;
	[bflag:$0x2] =	sbarrier.arrive $0xFFFF  }
0x61: {  	[sflag:s0] =	ssyncadd.tile.s32 @!p0 $0x1;
	_ =	shalt  }
.Lfunc_end2:
_tile_overlayer_lowered:
.L_overlay_start_2:
0x62: {  	(tag) =	ssettag $0x2  }
0x63: {  	s0 =	rddreg [dreg:$0x0];
	s2 =	stileid.u32  }
0x64: {  	s1 =	rddreg [dreg:$0x1];
	p0 =	sne.s32 s2, $0x0  }
0x65: {  	s3 =	rddreg [dreg:$0x2];
	[bflag:$0x3] =	sbarrier.arrive $0xFFFF;
	s2 =	simm.s32 @!p0 $0x1C05  }
0x66: {  	[timem:s3], [sflag:s2] =	dma.local @!p0 [hbm:s0], s1  }
0x67: {  	s0 =	simm.s32 @!p0 $0x5  }
0x68: {  	_ =	swait.ge @!p0 [sflag:s0], s1  }
0x69: {  	s1 =	ssub.s32 @!p0 $0x0, s1;
	[sflag:s0] =	ssyncset.done @!p0 $0x0  }
0x6a: {  	[sflag:s0] =	ssyncadd.s32 @!p0 s1  }
0x6b: {  	[bflag:$0x3] =	sbarrier.arrive $0xFFFF  }
0x6c: {  	_ =	shalt  }

// kernel: kernel.15.cloned.1.call-start
scs
__scs_entry_jumppad:
0x0: {  	(pc) =	sbr.rel $0x88, $3  }
0x1: {  	(tag) =	ssettag $0x0;
	lr =	simm.s32 $0x1  }
0x2: {  	[smem:$0x3F9B] =	sst lr;
	_ =	strace $0xD0000000  }
0x3: {  	_ = 	snop  }
0x4: {  	_ = 	snop  }
0x5: {  	_ = 	snop  }
0x6: {  	_ = 	snop  }
0x7: {  	_ = 	snop  }
__scs_overlays_trampoline_lowered:
0x8: {  	[smem:$0x3FAA] =	sst s0  }
0x9: {  	[smem:$0x3FAB] =	sst s1  }
0xa: {  	[smem:$0x3FAC] =	sst s2  }
0xb: {  	[smem:$0x3FAD] =	sst s3  }
0xc: {  	[smem:$0x3FAE] =	sst s4  }
0xd: {  	[smem:$0x3FAF] =	sst s5  }
0xe: {  	[smem:$0x3FB0] =	sst s6  }
0xf: {  	[smem:$0x3FB1] =	sst s7  }
0x10: {  	[smem:$0x3FB2] =	sst s8  }
0x11: {  	[smem:$0x3FB3] =	sst s9;
	s0 =	simm.s32 @!p0 $0x0  }
0x12: {  	s1 =	sld [smem:$0x3F99];
	s0 =	simm.s32 @p0 $0x1  }
0x13: {  	[smem:$0x3FB4] =	sst s0;
	s0 =	simm.s32 @!p1 $0x0  }
0x14: {  	s2 =	sld [smem:$0x3F98];
	s0 =	simm.s32 @p1 $0x1  }
0x15: {  	[smem:$0x3FB5] =	sst s0;
	s0 =	simm.s32 @!p2 $0x0  }
0x16: {  	s3 =	sld [smem:$0x3FDB];
	s0 =	simm.s32 @p2 $0x1  }
0x17: {  	s4 =	simm.s32 $0x1BF5;
	[smem:$0x3FB7] =	sst s0  }
0x18: {  	s0 =	sld [smem:$0x3F9A];
	_ =	swait.ge [sflag:s4], $0x0  }
0x19: {  	s7 =	sld [smem:$0x3F9B]  }
0x1a: {  	s8 =	sadd.s32 $0xFFFFE003, lr  }
0x1b: {  	s9 =	sadd.s32 $0xFFFFFEF7, lr;
	s5 =	simm.s32 $0xFFFFFFFF;
	p2 =	slt.u32 s8, $0xFFFFF086  }
0x1c: {  	p1 =	slt.u32 s9, $0xF7A;
	s5 =	simm.s32 @!p2 $0x0  }
0x1d: {  	s5 =	simm.s32 @p1 $0x1;
	p0 =	seq.s32 s7, s2  }
0x1e: {  	s7 =	smul.u32 @!p0 $0xF7A, s2;
	p2 =	seq.s32 @!p0 s5, $0x0  }
0x1f: {  	s9 =	smul.u32 $0xF7A, s1;
	s8 =	simm.s32 @!p0 $0x1BF5;
	p2 =	por !p2, p0  }
0x20: {  	[sflag:s8] =	ssyncset.s32 @!p0 $0xFFFFF086;
	s6 =	sadd.s32 @!p0 s3, s7;
	s7 =	simm.s32 @!p0 $0x108  }
0x21: {  	s3 =	sadd.s32 s3, s9;
	s6 =	sadd.s32 @!p0 $0x88, s6;
	s7 =	simm.s32 @p2 $0x1082  }
0x22: {  	[simem:s7], [sflag:s8] =	dma.local @!p0 [hbm:s6], $0xF7A  }
0x23: {  	s9 =	sor.u32 $0xD0000000, s2;
	s6 =	simm.s32 $0x108;
	_ =	swait.ge @!p0 [sflag:s8], $0x0  }
0x24: {  	s3 =	sadd.s32 $0x88, s3;
	s6 =	simm.s32 @!p1 $0x1082;
	[sflag:s4] =	ssyncset.s32 $0xFFFFF086  }
0x25: {  	[simem:s6], [sflag:s4] =	dma.local [hbm:s3], $0xF7A  }
0x26: {  	[smem:$0x3F9B] =	sst s1;
	(tag) =	ssettag s2;
	_ =	strace s9  }
0x27: {  	s1 =	sld [smem:$0x3FAB]  }
0x28: {  	s2 =	sld [smem:$0x3FAC]  }
0x29: {  	s4 =	sld [smem:$0x3FAE]  }
0x2a: {  	p0 =	seq.s32 s5, $0x0;
	s5 =	sld [smem:$0x3FAF]  }
0x2b: {  	s6 =	sld [smem:$0x3FB0]  }
0x2c: {  	s7 =	sld [smem:$0x3FB1]  }
0x2d: {  	s3 =	simm.s32 $0x108;
	s8 =	sld [smem:$0x3FB2]  }
0x2e: {  	s3 =	simm.s32 @!p0 $0x1082;
	s9 =	sld [smem:$0x3FB3]  }
0x2f: {  	lr =	sadd.s32 s0, s3;
	s0 =	sld [smem:$0x3FAA]  }
0x30: {  	s3 =	sld [smem:$0x3FAD]  }
0x31: {  	[smem:$0x3FB6] =	sst s10  }
0x32: {  	s10 =	sld [smem:$0x3FB4];
	_ =	sdelay $0x3  }
0x33: {  	p0 =	seq.s32 s10, $0x1;
	s10 =	sld [smem:$0x3FB6];
	_ =	sdelay $0x3  }
0x34: {  	[smem:$0x3FB6] =	sst s10  }
0x35: {  	s10 =	sld [smem:$0x3FB5];
	_ =	sdelay $0x3  }
0x36: {  	p1 =	seq.s32 s10, $0x1;
	s10 =	sld [smem:$0x3FB6];
	_ =	sdelay $0x3  }
0x37: {  	[smem:$0x3FB6] =	sst s10  }
0x38: {  	s10 =	sld [smem:$0x3FB7]  }
0x39: {  	_ = 	snop;
	(pc) =	sbr.ind lr, $3  }
0x3a: {  	_ = 	snop  }
0x3b: {  	_ = 	snop  }
0x3c: {  	p2 =	seq.s32 s10, $0x1;
	s10 =	sld [smem:$0x3FB6]  }
0x3d: {  	_ =	shalt  }
0x3e: {  	_ =	shalt  }
0x3f: {  	_ =	shalt  }
0x40: {  	_ =	shalt  }
0x41: {  	_ =	shalt  }
0x42: {  	_ =	shalt  }
0x43: {  	_ =	shalt  }
0x44: {  	_ =	shalt  }
0x45: {  	_ =	shalt  }
0x46: {  	_ =	shalt  }
0x47: {  	_ =	shalt  }
0x48: {  	_ =	shalt  }
0x49: {  	_ =	shalt  }
0x4a: {  	_ =	shalt  }
0x4b: {  	_ =	shalt  }
0x4c: {  	_ =	shalt  }
0x4d: {  	_ =	shalt  }
0x4e: {  	_ =	shalt  }
0x4f: {  	_ =	shalt  }
0x50: {  	_ =	shalt  }
0x51: {  	_ =	shalt  }
0x52: {  	_ =	shalt  }
0x53: {  	_ =	shalt  }
0x54: {  	_ =	shalt  }
0x55: {  	_ =	shalt  }
0x56: {  	_ =	shalt  }
0x57: {  	_ =	shalt  }
0x58: {  	_ =	shalt  }
0x59: {  	_ =	shalt  }
0x5a: {  	_ =	shalt  }
0x5b: {  	_ =	shalt  }
0x5c: {  	_ =	shalt  }
0x5d: {  	_ =	shalt  }
0x5e: {  	_ =	shalt  }
0x5f: {  	_ =	shalt  }
0x60: {  	_ =	shalt  }
0x61: {  	_ =	shalt  }
0x62: {  	_ =	shalt  }
0x63: {  	_ =	shalt  }
0x64: {  	_ =	shalt  }
0x65: {  	_ =	shalt  }
0x66: {  	_ =	shalt  }
0x67: {  	_ =	shalt  }
0x68: {  	_ =	shalt  }
0x69: {  	_ =	shalt  }
0x6a: {  	_ =	shalt  }
0x6b: {  	_ =	shalt  }
0x6c: {  	_ =	shalt  }
0x6d: {  	_ =	shalt  }
0x6e: {  	_ =	shalt  }
0x6f: {  	_ =	shalt  }
0x70: {  	_ =	shalt  }
0x71: {  	_ =	shalt  }
0x72: {  	_ =	shalt  }
0x73: {  	_ =	shalt  }
0x74: {  	_ =	shalt  }
0x75: {  	_ =	shalt  }
0x76: {  	_ =	shalt  }
0x77: {  	_ =	shalt  }
0x78: {  	_ =	shalt  }
0x79: {  	_ =	shalt  }
0x7a: {  	_ =	shalt  }
0x7b: {  	_ =	shalt  }
0x7c: {  	_ =	shalt  }
0x7d: {  	_ =	shalt  }
0x7e: {  	_ =	shalt  }
0x7f: {  	_ =	shalt  }
0x80: {  	_ =	shalt  }
0x81: {  	_ =	shalt  }
0x82: {  	_ =	shalt  }
0x83: {  	_ =	shalt  }
0x84: {  	_ =	shalt  }
0x85: {  	_ =	shalt  }
0x86: {  	_ =	shalt  }
0x87: {  	_ =	shalt  }
.Lfunc_end0:
.L_simem_size_0:
called_computation.2_lowered:
.L_overlay_start_0:
0x88: {  	s2 =	sld [smem:$0x3FD9]  }
0x89: {  	s3 =	sld [smem:$0x3FFE];
	_ =	sdelay $0x1  }
0x8a: {  	s1 =	srdreg.scid  }
0x8b: {  	s0 =	sand.u32 $0x1, s1  }
0x8c: {  	s17 =	sshll.u32 s0, $0xA;
	s2 =	sadd.s32 s3, s2  }
0x8d: {  	s2 =	sadd.s32 s2, s17  }
0x8e: {  	[smem:$0x3FC2] =	sst s2  }
0x8f: {  	_ = 	snop  }
0x90: {  	s2 =	sld [smem:$0x3FD0];
	(tm) =	ssettm $0x1  }
0x91: {  	s18 =	sld [smem:$0x3FFB];
	_ =	sdelay $0x3  }
0x92: {  	_ =	strace s18  }
0x93: {  	s3 =	sld [smem:$0x3FFC];
	_ =	sdelay $0x3  }
0x94: {  	_ =	strace s3  }
0x95: {  	s3 =	sld [smem:$0x3FFD];
	_ =	sdelay $0x3  }
0x96: {  	_ =	strace s3  }
0x97: {  	_ =	strace $0x8FFFFFFF  }
0x98: {  	s19 =	sld [smem:$0x3FDB];
	_ =	sdelay $0x1  }
0x99: {  	s4 =	simm.s32 $_scs_section_size  }
0x9a: {  	s5 =	simm.s32 $_size__tile_overlayer_lowered;
	s6 =	simm.s32 $_tile_overlayer_lowered  }
0x9b: {  	s22 =	simm.s32 $0x1BFF;
	s21 =	sshll.u32 s6, $0x1;
	s3 =	sadd.s32 s4, s19  }
0x9c: {  	s7 =	simm.s32 $0x0;
	s20 =	sshll.u32 s5, $0x1;
	s5 =	sadd.s32 s21, s3  }
0x9d: {  	[timem:s7], [sflag:s22] =	dma.local [hbm:s5], s20  }
0x9e: {  	_ =	swait.ge [sflag:s22], s20  }
0x9f: {  	s4 =	ssub.s32 $0x0, s20;
	[sflag:s22] =	ssyncset.done $0x0  }
0xa0: {  	[sflag:s22] =	ssyncadd.s32 s4;
	_ =	sdelay $0x1  }
0xa1: {  	s23 =	simm.s32 $0x1B8B  }
0xa2: {  	_ =	swait.ge [sflag:s23], $0x1  }
0xa3: {  	[sflag:s23] =	ssyncset.done $0x0  }
0xa4: {  	s25 =	simm.s32 $0x1B8E;
	s24 =	sld [smem:$0x3FFE];
	[sflag:s23] =	ssyncadd.s32 $0xFFFFFFFF  }
0xa5: {  	s26 =	simm.s32 $execute0_lowered;
	[smem:$0x3FD2] =	sst s25  }
0xa6: {  	s5 =	sshll.u32 s26, $0x1;
	_ =	strace $0x8000004C;
	[dreg:$0x1] =	wrdreg $0xFFFFFFFF  }
0xa7: {  	s28 =	simm.s32 $_size_execute0_lowered;
	s3 =	sadd.s32 s3, s5;
	[dreg:$0x0] =	wrdreg $0x0  }
0xa8: {  	s5 =	sshll.u32 s28, $0x1;
	[dreg:$0x2] =	wrdreg s3  }
0xa9: {  	[dreg:$0x3] =	wrdreg s5  }
0xaa: {  	[dreg:$0x4] =	wrdreg $0xC0  }
0xab: {  	_ =	task [dreg:s7], $0x5FFFF  }
0xac: {  	[dreg:$0x1] =	wrdreg $0xFFFFFFFF  }
0xad: {  	[dreg:$0x0] =	wrdreg $0x60  }
0xae: {  	[dreg:$0x2] =	wrdreg s24  }
0xaf: {  	[dreg:$0x3] =	wrdreg s2  }
0xb0: {  	[dreg:$0x4] =	wrdreg $0x48000  }
0xb1: {  	[dreg:$0x5] =	wrdreg $0x9  }
0xb2: {  	_ =	task.clear_ibuf [dreg:s7], $0x6FFFF;
	_ =	strace $0x9000004C  }
0xb3: {  	s29 =	simm.s32 $0x9;
	_ =	strace $0x8000004E  }
0xb4: {  	_ =	swait.ge [sflag:s29], $0x1  }
0xb5: {  	[sflag:s29] =	ssyncadd.s32 $0xFFFFFFFF  }
0xb6: {  	_ =	strace $0x9000004E  }
0xb7: {  	_ =	sfence  }
0xb8: {  	s30 =	sld [smem:$0x0];
	_ =	sdelay $0x2  }
0xb9: {  	s31 =	sshll.u32 s1, $0xD;
	s1 =	sshrl.u32 s1, $0x2  }
0xba: {  	s3 =	sand.u32 $0x4000, s31;
	s1 =	sadd.s32 s1, s30  }
0xbb: {  	s0 =	sor.u32 s3, s0;
	s1 =	sshll.u32 s1, $0x11  }
0xbc: {  	s0 =	sor.u32 s1, s0  }
0xbd: {  	s0 =	sadd.s32 $0x8F2B, s0  }
0xbe: {  	[sflag:s0] =	ssyncadd.remote.s32 $0x1  }
0xbf: {  	_ =	sfence.sel $0xFFFF  }
0xc0: {  	[dreg:$0x0] =	wrdreg $0xFFFFFFFF;
	(pc) =	sbr.abs _section_cstart, $3  }
0xc1: {  	[dreg:$0x1] =	wrdreg $0xFFFFFFFF  }
0xc2: {  	_ =	task.clear_ibuf [dreg:s7], $0x2FFFF;
	_ =	strace $0x9FFFFFFF  }
0xc3: {  	(tm) =	ssettm $0x7FFFFFFF  }
tec
execute0_lowered:
.L_overlay_start_1:
0x0: {  	(tag) =	ssettag $0x1  }
0x1: {  	s7 =	rddreg [dreg:$0x0]  }
0x2: {  	s2 =	rddreg [dreg:$0x1]  }
0x3: {  	s3 =	rddreg [dreg:$0x2]  }
0x4: {  	s0 =	rddreg [dreg:$0x3];
	s4 =	simm.s32 $0x0;
	s1 =	stileid.u32  }
0x5: {  	s5 =	srdreg.scid;
	s16 =	simm.s32 $0x1400;
	s17 =	simm.s32 $0x80  }
0x6: {  	s18 =	simm.s32 $0x2800;
	s19 =	simm.s32 $0x3800;
	s20 =	simm.s32 $0x1  }
0x7: {  	s21 =	simm.s32 $0x2;
	s22 =	simm.s32 $0x3;
	s23 =	simm.s32 $0x4  }
0x8: {  	s24 =	simm.s32 $0x2700;
	s25 =	simm.s32 $0x2780;
	[smem:$0x7FF] =	sst s4  }
0x9: {  	s8 =	smul.u32 $0x9E00, s1;
	s10 =	sand.u32 $0x1, s5;
	s5 =	sadd.s32 $0x1A000, s7  }
0xa: {  	s6 =	sadd.s32 $0x10000, s7;
	s30 =	sshll.u32 s1, $0x6;
	_ =	strace $0x8000004D  }
0xb: {  	s9 =	smul.u32 $0x9E000, s10;
	s12 =	ssub.s32 $0x2, s10;
	s31 =	sshll.u32 s10, $0x1  }
0xc: {  	s10 =	smul.u32 $0x780, s10;
	s11 =	sshrl.u32 s8, $0x4;
	s13 =	sshrl.u32 s12, $0x1  }
0xd: {  	s11 =	sadd.s32 s11, s7;
	s9 =	sadd.s32 s8, s9;
	s8 =	sshrl.u32 s8, $0x1  }
0xe: {  	s13 =	ssub.s32 s12, s13;
	s9 =	sshrl.u32 s9, $0x4;
	s15 =	sadd.s32 s8, s3  }
0xf: {  	s8 =	sor.u32 $0x1C05, s30;
	s14 =	sadd.s32 s9, s7;
	s9 =	sxor.u32 $0x3, s31  }
0x10: {  	s13 =	smax.u32 s13, $0x1;
	s7 =	sadd.s32 $0x1000, s11;
	s11 =	smul.u32 s1, s9  }
0x11: {  	s12 =	sadd.s32 $0x23E00, s14;
	s14 =	sshrl.u32 s15, $0x3;
	s15 =	simm.s32 $0x5  }
.LBB2_1:
0x12: {  	[spmem:s14], [sflag:s8] =	dma.local [hbm:s7], $0x9E0  }
0x13: {  	_ =	swait.ge [sflag:s15], $0x9E0  }
0x14: {  	[sflag:s15] =	ssyncset.done $0x0  }
0x15: {  	[sflag:s15] =	ssyncadd.s32 $0xFFFFF620  }
0x16: {  	s26 =	simm.s32 $0x0;
	[bflag:$0x0] =	sbarrier.arrive $0xFFFF  }
.LBB2_2:
0x17: {  	s28 =	sadd.s32 s11, s26  }
0x18: {  	s28 =	smul.u32 $0x28, s28;
	_ =	sdelay $0x1  }
0x19: {  	s28 =	sadd.s32 s10, s28  }
0x1a: {  	s28 =	sshll.u32 s28, $0x4  }
0x1b: {  	s30 =	simm.s32 $0x0;
	s29 =	sadd.s32 s6, s28  }
0x1c: {  	[tilespmem:s30], [sflag:$0x5] =	stream.linear.gather [hbm4b:s29+s30], $0x1400, $0x38;
	[tilespmem:$0x9700] =	vst v63  }
0x1d: {  	_ =	swait.ge [sflag:s15], $0x1400  }
0x1e: {  	[sflag:s15] =	ssyncset.done $0x0  }
0x1f: {  	s28 =	sadd.s32 s2, s28;
	[sflag:s15] =	ssyncadd.s32 $0xFFFFEC00  }
0x20: {  	[tilespmem:s16], [sflag:$0x5] =	stream.linear.gather [hbm4b:s28+s30], $0x1400, $0x38;
	[tilespmem:$0x9700] =	vst v63  }
0x21: {  	_ =	swait.ge [sflag:s15], $0x1400  }
0x22: {  	[sflag:s15] =	ssyncset.done $0x0  }
0x23: {  	[sflag:s15] =	ssyncadd.s32 $0xFFFFEC00  }
0x24: {  	[tilespmem:s18], [sflag:$0x1] =	stream.indirect.gather [hbm4b:s5+s17], $0x20, s30, s17, $0xb8;
	[tilespmem:$0x9700] =	vst v63  }
0x25: {  	_ = 	snop  }
0x26: {  	[tilespmem:s19], [sflag:$0x2] =	stream.indirect.gather [hbm4b:s5+s17], $0x20, s17, s17, $0xb8;
	[tilespmem:$0x9700] =	vst v63  }
0x27: {  	_ =	swait.ge [sflag:s20], $0x1000  }
0x28: {  	[sflag:s20] =	ssyncset.done $0x0  }
0x29: {  	s28 =	simm.s32 $0x1400;
	[sflag:s20] =	ssyncadd.s32 $0xFFFFF000  }
0x2a: {  	[spmem:s3] =	stream.indirect.scatter.add.bf16 [tilespmem:s18], [sflag:$0x3], $0x20, s28, s17, $0xb8;
	[tilespmem:$0x9700] =	vst v63  }
0x2b: {  	_ =	swait.ge [sflag:s21], $0x1000  }
0x2c: {  	[sflag:s21] =	ssyncset.done $0x0  }
0x2d: {  	s28 =	simm.s32 $0x1480;
	[sflag:s21] =	ssyncadd.s32 $0xFFFFF000  }
0x2e: {  	[spmem:s3] =	stream.indirect.scatter.add.bf16 [tilespmem:s19], [sflag:$0x4], $0x20, s28, s17, $0xb8;
	[tilespmem:$0x9700] =	vst v63  }
0x2f: {  	_ =	swait.ge [sflag:s22], $0x1000  }
0x30: {  	[sflag:s22] =	ssyncset.done $0x0  }
0x31: {  	s28 =	simm.s32 $0x100;
	[sflag:s22] =	ssyncadd.s32 $0xFFFFF000  }
0x32: {  	[tilespmem:s18], [sflag:$0x1] =	stream.indirect.gather [hbm4b:s5+s17], $0x20, s28, s17, $0xb8;
	[tilespmem:$0x9700] =	vst v63  }
0x33: {  	_ =	swait.ge [sflag:s23], $0x1000  }
0x34: {  	[sflag:s23] =	ssyncset.done $0x0  }
0x35: {  	s29 =	simm.s32 $0x180;
	s28 =	simm.s32 $0x400;
	[sflag:s23] =	ssyncadd.s32 $0xFFFFF000  }
.LBB2_3:
0x36: {  	[tilespmem:s19], [sflag:$0x2] =	stream.indirect.gather [hbm4b:s5+s17], $0x20, s29, s17, $0xb8;
	[tilespmem:$0x9700] =	vst v63  }
0x37: {  	s29 =	smov.u32 s28  }
0x38: {  	p0 =	sne.s32 s28, $0x4800;
	s28 =	sadd.s32 $0x400, s28;
	_ =	swait.ge [sflag:s20], $0x1000  }
0x39: {  	s29 =	sshra.s32 s29, $0x2;
	[sflag:s20] =	ssyncset.done $0x0  }
0x3a: {  	s30 =	sadd.s32 $0x1400, s29;
	[sflag:s20] =	ssyncadd.s32 $0xFFFFF000  }
0x3b: {  	[spmem:s3] =	stream.indirect.scatter.add.bf16 [tilespmem:s18], [sflag:$0x3], $0x20, s30, s17, $0xb8;
	[tilespmem:$0x9700] =	vst v63  }
0x3c: {  	_ =	swait.ge [sflag:s21], $0x1000  }
0x3d: {  	[sflag:s21] =	ssyncset.done $0x0  }
0x3e: {  	s30 =	sadd.s32 $0x1480, s29;
	[sflag:s21] =	ssyncadd.s32 $0xFFFFF000  }
0x3f: {  	[spmem:s3] =	stream.indirect.scatter.add.bf16 [tilespmem:s19], [sflag:$0x4], $0x20, s30, s17, $0xb8;
	[tilespmem:$0x9700] =	vst v63  }
0x40: {  	_ =	swait.ge [sflag:s22], $0x1000  }
0x41: {  	[sflag:s22] =	ssyncset.done $0x0  }
.Ltmp0:
0x42: {  	s30 =	sadd.s32 $0x100, s29;
	[sflag:s22] =	ssyncadd.s32 $0xFFFFF000;
	(pc) =	sbr.rel @p0 .LBB2_3-.Ltmp0, $4  }
0x43: {  	[tilespmem:s18], [sflag:$0x1] =	stream.indirect.gather [hbm4b:s5+s17], $0x20, s30, s17, $0xb8;
	[tilespmem:$0x9700] =	vst v63  }
0x44: {  	_ =	swait.ge [sflag:s23], $0x1000  }
0x45: {  	[sflag:s23] =	ssyncset.done $0x0  }
0x46: {  	s29 =	sadd.s32 $0x180, s29;
	[sflag:s23] =	ssyncadd.s32 $0xFFFFF000  }
0x47: {  	[tilespmem:s19], [sflag:$0x2] =	stream.indirect.gather [hbm4b:s5+s17], $0x20, s29, s17, $0xb8;
	[tilespmem:$0x9700] =	vst v63  }
0x48: {  	_ =	swait.ge [sflag:s20], $0x1000  }
0x49: {  	[sflag:s20] =	ssyncset.done $0x0  }
0x4a: {  	[sflag:s20] =	ssyncadd.s32 $0xFFFFF000  }
0x4b: {  	[spmem:s3] =	stream.indirect.scatter.add.bf16 [tilespmem:s18], [sflag:$0x3], $0x20, s24, s17, $0xb8;
	[tilespmem:$0x9700] =	vst v63  }
0x4c: {  	_ =	swait.ge [sflag:s21], $0x1000  }
0x4d: {  	[sflag:s21] =	ssyncset.done $0x0  }
0x4e: {  	s26 =	sadd.s32 $0x1, s26;
	[sflag:s21] =	ssyncadd.s32 $0xFFFFF000  }
0x4f: {  	[spmem:s3] =	stream.indirect.scatter.add.bf16 [tilespmem:s19], [sflag:$0x4], $0x20, s25, s17, $0xb8;
	[tilespmem:$0x9700] =	vst v63  }
0x50: {  	p0 =	sne.s32 s26, s9;
	_ =	swait.ge [sflag:s22], $0x1000  }
.Ltmp1:
0x51: {  	[sflag:s22] =	ssyncset.done $0x0;
	(pc) =	sbr.rel @p0 .LBB2_2-.Ltmp1, $4  }
0x52: {  	[sflag:s22] =	ssyncadd.s32 $0xFFFFF000  }
0x53: {  	_ =	swait.ge [sflag:s23], $0x1000  }
0x54: {  	[sflag:s23] =	ssyncset.done $0x0  }
0x55: {  	[sflag:s23] =	ssyncadd.s32 $0xFFFFF000  }
0x56: {  	s4 =	sadd.s32 $0x1, s4  }
0x57: {  	p0 =	sne.s32 s4, s13  }
.Ltmp2:
0x58: {  	[bflag:$0x0] =	sbarrier.arrive $0xFFFF;
	(pc) =	sbr.rel @p0 .LBB2_1-.Ltmp2, $4  }
0x59: {  	[hbm:s12], [sflag:s8] =	dma.local [spmem:s14], $0x9E0  }
0x5a: {  	_ =	swait.ge [sflag:s15], $0x9E0  }
0x5b: {  	[sflag:s15] =	ssyncset.done $0x0  }
0x5c: {  	[sflag:s15] =	ssyncadd.s32 $0xFFFFF620  }
0x5d: {  	_ =	sfence.sel $0x180000  }
0x5e: {  	[bflag:$0x0] =	sbarrier.arrive $0xFFFF  }
0x5f: {  	p0 =	sne.s32 s1, $0x0;
	_ =	strace $0x9000004D  }
0x60: {  	s0 =	sadd.s32 @!p0 $0x100000, s0;
	[bflag:$0x2] =	sbarrier.arrive $0xFFFF  }
0x61: {  	[sflag:s0] =	ssyncadd.tile.s32 @!p0 $0x1;
	_ =	shalt  }
.Lfunc_end2:
_tile_overlayer_lowered:
.L_overlay_start_2:
0x62: {  	(tag) =	ssettag $0x2  }
0x63: {  	s0 =	rddreg [dreg:$0x0];
	s2 =	stileid.u32  }
0x64: {  	s1 =	rddreg [dreg:$0x1];
	p0 =	sne.s32 s2, $0x0  }
0x65: {  	s3 =	rddreg [dreg:$0x2];
	[bflag:$0x3] =	sbarrier.arrive $0xFFFF;
	s2 =	simm.s32 @!p0 $0x1C05  }
0x66: {  	[timem:s3], [sflag:s2] =	dma.local @!p0 [hbm:s0], s1  }
0x67: {  	s0 =	simm.s32 @!p0 $0x5  }
0x68: {  	_ =	swait.ge @!p0 [sflag:s0], s1  }
0x69: {  	s1 =	ssub.s32 @!p0 $0x0, s1;
	[sflag:s0] =	ssyncset.done @!p0 $0x0  }
0x6a: {  	[sflag:s0] =	ssyncadd.s32 @!p0 s1  }
0x6b: {  	[bflag:$0x3] =	sbarrier.arrive $0xFFFF  }
0x6c: {  	_ =	shalt  }

// kernel: kernel.9.cloned.1.call-start
scs
__scs_entry_jumppad:
0x0: {  	(pc) =	sbr.rel $0x88, $3  }
0x1: {  	(tag) =	ssettag $0x0;
	lr =	simm.s32 $0x1  }
0x2: {  	[smem:$0x3F9B] =	sst lr;
	_ =	strace $0xD0000000  }
0x3: {  	_ = 	snop  }
0x4: {  	_ = 	snop  }
0x5: {  	_ = 	snop  }
0x6: {  	_ = 	snop  }
0x7: {  	_ = 	snop  }
__scs_overlays_trampoline_lowered:
0x8: {  	[smem:$0x3FAA] =	sst s0  }
0x9: {  	[smem:$0x3FAB] =	sst s1  }
0xa: {  	[smem:$0x3FAC] =	sst s2  }
0xb: {  	[smem:$0x3FAD] =	sst s3  }
0xc: {  	[smem:$0x3FAE] =	sst s4  }
0xd: {  	[smem:$0x3FAF] =	sst s5  }
0xe: {  	[smem:$0x3FB0] =	sst s6  }
0xf: {  	[smem:$0x3FB1] =	sst s7  }
0x10: {  	[smem:$0x3FB2] =	sst s8  }
0x11: {  	[smem:$0x3FB3] =	sst s9;
	s0 =	simm.s32 @!p0 $0x0  }
0x12: {  	s1 =	sld [smem:$0x3F99];
	s0 =	simm.s32 @p0 $0x1  }
0x13: {  	[smem:$0x3FB4] =	sst s0;
	s0 =	simm.s32 @!p1 $0x0  }
0x14: {  	s2 =	sld [smem:$0x3F98];
	s0 =	simm.s32 @p1 $0x1  }
0x15: {  	[smem:$0x3FB5] =	sst s0;
	s0 =	simm.s32 @!p2 $0x0  }
0x16: {  	s3 =	sld [smem:$0x3FDB];
	s0 =	simm.s32 @p2 $0x1  }
0x17: {  	s4 =	simm.s32 $0x1BF5;
	[smem:$0x3FB7] =	sst s0  }
0x18: {  	s0 =	sld [smem:$0x3F9A];
	_ =	swait.ge [sflag:s4], $0x0  }
0x19: {  	s7 =	sld [smem:$0x3F9B]  }
0x1a: {  	s8 =	sadd.s32 $0xFFFFE003, lr  }
0x1b: {  	s9 =	sadd.s32 $0xFFFFFEF7, lr;
	s5 =	simm.s32 $0xFFFFFFFF;
	p2 =	slt.u32 s8, $0xFFFFF086  }
0x1c: {  	p1 =	slt.u32 s9, $0xF7A;
	s5 =	simm.s32 @!p2 $0x0  }
0x1d: {  	s5 =	simm.s32 @p1 $0x1;
	p0 =	seq.s32 s7, s2  }
0x1e: {  	s7 =	smul.u32 @!p0 $0xF7A, s2;
	p2 =	seq.s32 @!p0 s5, $0x0  }
0x1f: {  	s9 =	smul.u32 $0xF7A, s1;
	s8 =	simm.s32 @!p0 $0x1BF5;
	p2 =	por !p2, p0  }
0x20: {  	[sflag:s8] =	ssyncset.s32 @!p0 $0xFFFFF086;
	s6 =	sadd.s32 @!p0 s3, s7;
	s7 =	simm.s32 @!p0 $0x108  }
0x21: {  	s3 =	sadd.s32 s3, s9;
	s6 =	sadd.s32 @!p0 $0x88, s6;
	s7 =	simm.s32 @p2 $0x1082  }
0x22: {  	[simem:s7], [sflag:s8] =	dma.local @!p0 [hbm:s6], $0xF7A  }
0x23: {  	s9 =	sor.u32 $0xD0000000, s2;
	s6 =	simm.s32 $0x108;
	_ =	swait.ge @!p0 [sflag:s8], $0x0  }
0x24: {  	s3 =	sadd.s32 $0x88, s3;
	s6 =	simm.s32 @!p1 $0x1082;
	[sflag:s4] =	ssyncset.s32 $0xFFFFF086  }
0x25: {  	[simem:s6], [sflag:s4] =	dma.local [hbm:s3], $0xF7A  }
0x26: {  	[smem:$0x3F9B] =	sst s1;
	(tag) =	ssettag s2;
	_ =	strace s9  }
0x27: {  	s1 =	sld [smem:$0x3FAB]  }
0x28: {  	s2 =	sld [smem:$0x3FAC]  }
0x29: {  	s4 =	sld [smem:$0x3FAE]  }
0x2a: {  	p0 =	seq.s32 s5, $0x0;
	s5 =	sld [smem:$0x3FAF]  }
0x2b: {  	s6 =	sld [smem:$0x3FB0]  }
0x2c: {  	s7 =	sld [smem:$0x3FB1]  }
0x2d: {  	s3 =	simm.s32 $0x108;
	s8 =	sld [smem:$0x3FB2]  }
0x2e: {  	s3 =	simm.s32 @!p0 $0x1082;
	s9 =	sld [smem:$0x3FB3]  }
0x2f: {  	lr =	sadd.s32 s0, s3;
	s0 =	sld [smem:$0x3FAA]  }
0x30: {  	s3 =	sld [smem:$0x3FAD]  }
0x31: {  	[smem:$0x3FB6] =	sst s10  }
0x32: {  	s10 =	sld [smem:$0x3FB4];
	_ =	sdelay $0x3  }
0x33: {  	p0 =	seq.s32 s10, $0x1;
	s10 =	sld [smem:$0x3FB6];
	_ =	sdelay $0x3  }
0x34: {  	[smem:$0x3FB6] =	sst s10  }
0x35: {  	s10 =	sld [smem:$0x3FB5];
	_ =	sdelay $0x3  }
0x36: {  	p1 =	seq.s32 s10, $0x1;
	s10 =	sld [smem:$0x3FB6];
	_ =	sdelay $0x3  }
0x37: {  	[smem:$0x3FB6] =	sst s10  }
0x38: {  	s10 =	sld [smem:$0x3FB7]  }
0x39: {  	_ = 	snop;
	(pc) =	sbr.ind lr, $3  }
0x3a: {  	_ = 	snop  }
0x3b: {  	_ = 	snop  }
0x3c: {  	p2 =	seq.s32 s10, $0x1;
	s10 =	sld [smem:$0x3FB6]  }
0x3d: {  	_ =	shalt  }
0x3e: {  	_ =	shalt  }
0x3f: {  	_ =	shalt  }
0x40: {  	_ =	shalt  }
0x41: {  	_ =	shalt  }
0x42: {  	_ =	shalt  }
0x43: {  	_ =	shalt  }
0x44: {  	_ =	shalt  }
0x45: {  	_ =	shalt  }
0x46: {  	_ =	shalt  }
0x47: {  	_ =	shalt  }
0x48: {  	_ =	shalt  }
0x49: {  	_ =	shalt  }
0x4a: {  	_ =	shalt  }
0x4b: {  	_ =	shalt  }
0x4c: {  	_ =	shalt  }
0x4d: {  	_ =	shalt  }
0x4e: {  	_ =	shalt  }
0x4f: {  	_ =	shalt  }
0x50: {  	_ =	shalt  }
0x51: {  	_ =	shalt  }
0x52: {  	_ =	shalt  }
0x53: {  	_ =	shalt  }
0x54: {  	_ =	shalt  }
0x55: {  	_ =	shalt  }
0x56: {  	_ =	shalt  }
0x57: {  	_ =	shalt  }
0x58: {  	_ =	shalt  }
0x59: {  	_ =	shalt  }
0x5a: {  	_ =	shalt  }
0x5b: {  	_ =	shalt  }
0x5c: {  	_ =	shalt  }
0x5d: {  	_ =	shalt  }
0x5e: {  	_ =	shalt  }
0x5f: {  	_ =	shalt  }
0x60: {  	_ =	shalt  }
0x61: {  	_ =	shalt  }
0x62: {  	_ =	shalt  }
0x63: {  	_ =	shalt  }
0x64: {  	_ =	shalt  }
0x65: {  	_ =	shalt  }
0x66: {  	_ =	shalt  }
0x67: {  	_ =	shalt  }
0x68: {  	_ =	shalt  }
0x69: {  	_ =	shalt  }
0x6a: {  	_ =	shalt  }
0x6b: {  	_ =	shalt  }
0x6c: {  	_ =	shalt  }
0x6d: {  	_ =	shalt  }
0x6e: {  	_ =	shalt  }
0x6f: {  	_ =	shalt  }
0x70: {  	_ =	shalt  }
0x71: {  	_ =	shalt  }
0x72: {  	_ =	shalt  }
0x73: {  	_ =	shalt  }
0x74: {  	_ =	shalt  }
0x75: {  	_ =	shalt  }
0x76: {  	_ =	shalt  }
0x77: {  	_ =	shalt  }
0x78: {  	_ =	shalt  }
0x79: {  	_ =	shalt  }
0x7a: {  	_ =	shalt  }
0x7b: {  	_ =	shalt  }
0x7c: {  	_ =	shalt  }
0x7d: {  	_ =	shalt  }
0x7e: {  	_ =	shalt  }
0x7f: {  	_ =	shalt  }
0x80: {  	_ =	shalt  }
0x81: {  	_ =	shalt  }
0x82: {  	_ =	shalt  }
0x83: {  	_ =	shalt  }
0x84: {  	_ =	shalt  }
0x85: {  	_ =	shalt  }
0x86: {  	_ =	shalt  }
0x87: {  	_ =	shalt  }
.Lfunc_end0:
.L_simem_size_0:
called_computation_lowered:
.L_overlay_start_0:
0x88: {  	s2 =	sld [smem:$0x3FD9]  }
0x89: {  	s3 =	sld [smem:$0x3FFE];
	_ =	sdelay $0x1  }
0x8a: {  	s1 =	srdreg.scid  }
0x8b: {  	s0 =	sand.u32 $0x1, s1  }
0x8c: {  	s17 =	sshll.u32 s0, $0xA;
	s2 =	sadd.s32 s3, s2  }
0x8d: {  	s2 =	sadd.s32 s2, s17  }
0x8e: {  	[smem:$0x3FC2] =	sst s2  }
0x8f: {  	_ = 	snop  }
0x90: {  	s2 =	sld [smem:$0x3FD0];
	(tm) =	ssettm $0x1  }
0x91: {  	s18 =	sld [smem:$0x3FFB];
	_ =	sdelay $0x3  }
0x92: {  	_ =	strace s18  }
0x93: {  	s3 =	sld [smem:$0x3FFC];
	_ =	sdelay $0x3  }
0x94: {  	_ =	strace s3  }
0x95: {  	s3 =	sld [smem:$0x3FFD];
	_ =	sdelay $0x3  }
0x96: {  	_ =	strace s3  }
0x97: {  	_ =	strace $0x8FFFFFFF  }
0x98: {  	s19 =	sld [smem:$0x3FDB];
	_ =	sdelay $0x1  }
0x99: {  	s4 =	simm.s32 $_scs_section_size  }
0x9a: {  	s5 =	simm.s32 $_size__tile_overlayer_lowered;
	s6 =	simm.s32 $_tile_overlayer_lowered  }
0x9b: {  	s22 =	simm.s32 $0x1BFF;
	s21 =	sshll.u32 s6, $0x1;
	s3 =	sadd.s32 s4, s19  }
0x9c: {  	s7 =	simm.s32 $0x0;
	s20 =	sshll.u32 s5, $0x1;
	s5 =	sadd.s32 s21, s3  }
0x9d: {  	[timem:s7], [sflag:s22] =	dma.local [hbm:s5], s20  }
0x9e: {  	_ =	swait.ge [sflag:s22], s20  }
0x9f: {  	s4 =	ssub.s32 $0x0, s20;
	[sflag:s22] =	ssyncset.done $0x0  }
0xa0: {  	[sflag:s22] =	ssyncadd.s32 s4;
	_ =	sdelay $0x1  }
0xa1: {  	s23 =	simm.s32 $0x1B8B  }
0xa2: {  	_ =	swait.ge [sflag:s23], $0x1  }
0xa3: {  	[sflag:s23] =	ssyncset.done $0x0  }
0xa4: {  	s25 =	simm.s32 $0x1B8E;
	s24 =	sld [smem:$0x3FFE];
	[sflag:s23] =	ssyncadd.s32 $0xFFFFFFFF  }
0xa5: {  	s26 =	simm.s32 $execute0_lowered;
	[smem:$0x3FD2] =	sst s25  }
0xa6: {  	s5 =	sshll.u32 s26, $0x1;
	_ =	strace $0x80000046;
	[dreg:$0x1] =	wrdreg $0xFFFFFFFF  }
0xa7: {  	s28 =	simm.s32 $_size_execute0_lowered;
	s3 =	sadd.s32 s3, s5;
	[dreg:$0x0] =	wrdreg $0x0  }
0xa8: {  	s5 =	sshll.u32 s28, $0x1;
	[dreg:$0x2] =	wrdreg s3  }
0xa9: {  	[dreg:$0x3] =	wrdreg s5  }
0xaa: {  	[dreg:$0x4] =	wrdreg $0xC0  }
0xab: {  	_ =	task [dreg:s7], $0x5FFFF  }
0xac: {  	[dreg:$0x1] =	wrdreg $0xFFFFFFFF  }
0xad: {  	[dreg:$0x0] =	wrdreg $0x60  }
0xae: {  	[dreg:$0x2] =	wrdreg s2  }
0xaf: {  	[dreg:$0x3] =	wrdreg s24  }
0xb0: {  	[dreg:$0x4] =	wrdreg $0x30000  }
0xb1: {  	[dreg:$0x5] =	wrdreg $0x9  }
0xb2: {  	_ =	task.clear_ibuf [dreg:s7], $0x6FFFF;
	_ =	strace $0x90000046  }
0xb3: {  	s29 =	simm.s32 $0x9;
	_ =	strace $0x80000048  }
0xb4: {  	_ =	swait.ge [sflag:s29], $0x1  }
0xb5: {  	[sflag:s29] =	ssyncadd.s32 $0xFFFFFFFF  }
0xb6: {  	_ =	strace $0x90000048  }
0xb7: {  	_ =	sfence  }
0xb8: {  	s30 =	sld [smem:$0x0];
	_ =	sdelay $0x2  }
0xb9: {  	s31 =	sshll.u32 s1, $0xD;
	s1 =	sshrl.u32 s1, $0x2  }
0xba: {  	s3 =	sand.u32 $0x4000, s31;
	s1 =	sadd.s32 s1, s30  }
0xbb: {  	s0 =	sor.u32 s3, s0;
	s1 =	sshll.u32 s1, $0x11  }
0xbc: {  	s0 =	sor.u32 s1, s0  }
0xbd: {  	s0 =	sadd.s32 $0x8F2B, s0  }
0xbe: {  	[sflag:s0] =	ssyncadd.remote.s32 $0x1  }
0xbf: {  	_ =	sfence.sel $0xFFFF  }
0xc0: {  	[dreg:$0x0] =	wrdreg $0xFFFFFFFF;
	(pc) =	sbr.abs _section_cstart, $3  }
0xc1: {  	[dreg:$0x1] =	wrdreg $0xFFFFFFFF  }
0xc2: {  	_ =	task.clear_ibuf [dreg:s7], $0x2FFFF;
	_ =	strace $0x9FFFFFFF  }
0xc3: {  	(tm) =	ssettm $0x7FFFFFFF  }
tec
execute0_lowered:
.L_overlay_start_1:
0x0: {  	(tag) =	ssettag $0x1  }
0x1: {  	s6 =	rddreg [dreg:$0x0]  }
0x2: {  	s5 =	rddreg [dreg:$0x1]  }
0x3: {  	s2 =	rddreg [dreg:$0x2]  }
0x4: {  	s0 =	rddreg [dreg:$0x3];
	s3 =	simm.s32 $0x0;
	s1 =	stileid.u32  }
0x5: {  	s4 =	srdreg.scid;
	s13 =	simm.s32 $0x80;
	s14 =	simm.s32 $0x0  }
0x6: {  	[smem:$0x7FF] =	sst s3;
	s7 =	smul.u32 $0x2780, s1;
	s8 =	sand.u32 $0x1, s4  }
0x7: {  	s4 =	sadd.s32 $0x6000, s5;
	s31 =	sshll.u32 s1, $0x6;
	_ =	strace $0x80000047  }
0x8: {  	s9 =	smul.u32 $0x27800, s8;
	s11 =	sshll.u32 s8, $0x4;
	s8 =	ssub.s32 $0x2, s8  }
0x9: {  	s10 =	sshrl.u32 s7, $0x3;
	s11 =	sor.u32 s1, s11;
	s12 =	sshrl.u32 s8, $0x1  }
0xa: {  	s30 =	sadd.s32 s7, s2;
	s9 =	sadd.s32 s7, s9;
	s11 =	smul.u32 $0x500, s11  }
0xb: {  	s10 =	sadd.s32 s10, s5;
	s8 =	ssub.s32 s8, s12;
	s9 =	sshrl.u32 s9, $0x3  }
0xc: {  	s12 =	sshrl.u32 s30, $0x3;
	s8 =	smax.u32 s8, $0x1;
	s9 =	sadd.s32 s9, s5  }
0xd: {  	s5 =	sadd.s32 $0x1000, s10;
	s6 =	sadd.s32 s6, s11;
	s10 =	simm.s32 $0x1  }
0xe: {  	s11 =	sor.u32 $0x1C01, s31;
	s7 =	sadd.s32 $0x6200, s9;
	s9 =	simm.s32 $0x2800  }
.LBB2_1:
0xf: {  	[tilespmem:s9], [sflag:$0x1] =	stream.linear.gather [hbm4b:s4+s3], $0x800, $0x38;
	[tilespmem:$0x5780] =	vst v63  }
0x10: {  	_ =	swait.ge [sflag:s10], $0x800  }
0x11: {  	[sflag:s10] =	ssyncset.done $0x0  }
0x12: {  	[sflag:s10] =	ssyncadd.s32 $0xFFFFF800  }
0x13: {  	[spmem:s12], [sflag:s11] =	dma.local [hbm:s5], $0x4F0  }
0x14: {  	_ =	swait.ge [sflag:s10], $0x4F0  }
0x15: {  	[sflag:s10] =	ssyncset.done $0x0  }
0x16: {  	[sflag:s10] =	ssyncadd.s32 $0xFFFFFB10  }
0x17: {  	[tilespmem:s3], [sflag:$0x1] =	stream.linear.gather [hbm4b:s6+s3], $0x2800, $0x38;
	[tilespmem:$0x5780] =	vst v63  }
0x18: {  	_ =	swait.ge [sflag:s10], $0x2800  }
0x19: {  	[sflag:s10] =	ssyncset.done $0x0  }
0x1a: {  	[sflag:s10] =	ssyncadd.s32 $0xFFFFD800  }
0x1b: {  	s15 =	simm.s32 $0x0;
	[bflag:$0x0] =	sbarrier.arrive $0xFFFF  }
0x1c: {  	[spmem:s2] =	stream.indirect.scatter.add.f32 [tilespmem:s9], [sflag:$0x1], $0x10, s15, s13, $0xb8;
	[tilespmem:$0x5780] =	vst v63  }
0x1d: {  	_ =	swait.ge [sflag:s10], $0x800  }
0x1e: {  	s15 =	simm.s32 $0x200;
	[sflag:s10] =	ssyncset.done $0x0  }
.LBB2_2:
0x1f: {  	s16 =	sshra.s32 s15, $0x2;
	[sflag:s10] =	ssyncadd.s32 $0xFFFFF800;
	p0 =	sne.s32 s15, $0x9E00  }
0x20: {  	[spmem:s2] =	stream.indirect.scatter.add.f32 [tilespmem:s9], [sflag:$0x1], $0x10, s16, s13, $0xb8;
	[tilespmem:$0x5780] =	vst v63  }
.Ltmp0:
0x21: {  	_ = 	snop;
	(pc) =	sbr.rel @p0 .LBB2_2-.Ltmp0, $4  }
0x22: {  	_ = 	snop  }
0x23: {  	s15 =	sadd.s32 $0x200, s15  }
0x24: {  	_ =	swait.ge [sflag:s10], $0x800  }
0x25: {  	[sflag:s10] =	ssyncset.done $0x0  }
0x26: {  	s14 =	sadd.s32 $0x1, s14  }
0x27: {  	[sflag:s10] =	ssyncadd.s32 $0xFFFFF800;
	p0 =	sne.s32 s14, s8  }
.Ltmp1:
0x28: {  	[bflag:$0x0] =	sbarrier.arrive $0xFFFF;
	(pc) =	sbr.rel @p0 .LBB2_1-.Ltmp1, $4  }
0x29: {  	[hbm:s7], [sflag:s11] =	dma.local [spmem:s12], $0x4F0  }
0x2a: {  	_ =	swait.ge [sflag:s10], $0x4F0  }
0x2b: {  	[sflag:s10] =	ssyncset.done $0x0  }
0x2c: {  	[sflag:s10] =	ssyncadd.s32 $0xFFFFFB10  }
0x2d: {  	_ =	sfence.sel $0x180000  }
0x2e: {  	[bflag:$0x0] =	sbarrier.arrive $0xFFFF  }
0x2f: {  	p0 =	sne.s32 s1, $0x0;
	_ =	strace $0x90000047  }
0x30: {  	s0 =	sadd.s32 @!p0 $0x100000, s0;
	[bflag:$0x2] =	sbarrier.arrive $0xFFFF  }
0x31: {  	[sflag:s0] =	ssyncadd.tile.s32 @!p0 $0x1;
	_ =	shalt  }
.Lfunc_end2:
_tile_overlayer_lowered:
.L_overlay_start_2:
0x32: {  	(tag) =	ssettag $0x2  }
0x33: {  	s0 =	rddreg [dreg:$0x0];
	s2 =	stileid.u32  }
0x34: {  	s1 =	rddreg [dreg:$0x1];
	p0 =	sne.s32 s2, $0x0  }
0x35: {  	s3 =	rddreg [dreg:$0x2];
	[bflag:$0x3] =	sbarrier.arrive $0xFFFF;
	s2 =	simm.s32 @!p0 $0x1C01  }
0x36: {  	[timem:s3], [sflag:s2] =	dma.local @!p0 [hbm:s0], s1  }
0x37: {  	s0 =	simm.s32 @!p0 $0x1  }
0x38: {  	_ =	swait.ge @!p0 [sflag:s0], s1  }
0x39: {  	s1 =	ssub.s32 @!p0 $0x0, s1;
	[sflag:s0] =	ssyncset.done @!p0 $0x0  }
0x3a: {  	[sflag:s0] =	ssyncadd.s32 @!p0 s1  }
0x3b: {  	[bflag:$0x3] =	sbarrier.arrive $0xFFFF  }
0x3c: {  	_ =	shalt  }

</sc_bundles>
